<compile_context>
chip_gen: v7x
topology: tpu7x:2x2x1
jax: 0.10.2.dev20260603
libtpu: 0.0.44.dev20260713+nightly
codegen_flags: <defaults>
</compile_context>

<pallas_src>
import functools

import jax
import jax.numpy as jnp
from jax import lax
from jax.experimental import pallas as pl
from jax.experimental.pallas import tpu as pltpu
from jax.experimental.pallas import tpu_sc as plsc

NUM_EXPERTS = 64
TOP_K = 2
HIDDEN = 768
INTER = 1536
T = 2048
CAP = 64
A = T * TOP_K
I_BLK = 768
N_IBLK = INTER // I_BLK
A_PAD = A + CAP

SC_NC = 2
SC_NS = 16
SC_NW = SC_NC * SC_NS
ROWS_W = A // SC_NW
LANES = 16



def _shift_down(c, sh):
    return jnp.concatenate(
        [jnp.zeros((sh, NUM_EXPERTS), jnp.float32), c[: T - sh]], axis=0)


def _router_body(x_ref, rw_ref, logits_ref, dstw_ref, wk_ref):
    x = x_ref[...]
    logits = jnp.dot(x, rw_ref[...], preferred_element_type=jnp.float32)
    logits_ref[...] = logits
    m = jnp.max(logits, axis=1, keepdims=True)
    p = jnp.exp(logits - m)
    aff = p / jnp.sum(p, axis=1, keepdims=True)
    lane = lax.broadcasted_iota(jnp.int32, (T, NUM_EXPERTS), 1)
    v1 = jnp.max(aff, axis=1, keepdims=True)
    e1 = jnp.min(jnp.where(aff == v1, lane, NUM_EXPERTS), axis=1, keepdims=True)
    aff2 = jnp.where(lane == e1, -1.0, aff)
    v2 = jnp.max(aff2, axis=1, keepdims=True)
    e2 = jnp.min(jnp.where(aff2 == v2, lane, NUM_EXPERTS), axis=1, keepdims=True)
    tot = v1 + v2
    w1 = v1 / tot
    w2 = v2 / tot
    oh1 = (lane == e1).astype(jnp.float32)
    oh2 = (lane == e2).astype(jnp.float32)
    comb = oh1 + oh2
    c = comb
    sh = 1
    while sh < T:
        c = c + _shift_down(c, sh)
        sh *= 2
    excl = c - comb
    pos1 = jnp.sum(oh1 * excl, axis=1, keepdims=True).astype(jnp.int32)
    pos2 = jnp.sum(oh2 * excl, axis=1, keepdims=True).astype(jnp.int32)
    keep1 = pos1 < CAP
    keep2 = pos2 < CAP
    slot1 = e1 * CAP + jnp.minimum(pos1, CAP - 1)
    slot2 = e2 * CAP + jnp.minimum(pos2, CAP - 1)
    row = lax.broadcasted_iota(jnp.int32, (T, 1), 0)
    dump0 = A + (row & (LANES - 1))
    dump1 = A + LANES + (row & (LANES - 1))
    l128 = lax.broadcasted_iota(jnp.int32, (T, 128), 1)
    dstw = jnp.where(l128 == 0, jnp.where(keep1, slot1, dump0),
           jnp.where(l128 == 1, jnp.where(keep2, slot2, dump1),
           jnp.where(l128 == 2, slot1,
           jnp.where(l128 == 3, slot2, 0))))
    dstw_ref[...] = dstw
    wk_ref[...] = jnp.concatenate(
        [jnp.where(keep1, w1, 0.0), jnp.where(keep2, w2, 0.0)], axis=1)


def _router(x, router_w):
    return pl.pallas_call(
        _router_body,
        out_shape=(
            jax.ShapeDtypeStruct((T, NUM_EXPERTS), jnp.float32),
            jax.ShapeDtypeStruct((T, 128), jnp.int32),
            jax.ShapeDtypeStruct((T, TOP_K), jnp.float32),
        ),
    )(x, router_w)



def _sc_dispatch_body(x_hbm, dstw_hbm, disp_hbm, wide, dst0, dst1, rows, sem):
    wid = lax.axis_index("s") * SC_NC + lax.axis_index("c")
    ntok = ROWS_W // 2
    lanes = lax.iota(jnp.int32, 16)
    pltpu.sync_copy(dstw_hbm.at[pl.ds(wid * ntok * 128, ntok * 128)], wide)
    cp = pltpu.async_copy(x_hbm.at[pl.ds(wid * ntok, ntok)], rows, sem)

    def mk(c, carry):
        t = c * 16 + lanes
        dst0[pl.ds(c * 16, 16)] = plsc.load_gather(wide, [t << 7])
        dst1[pl.ds(c * 16, 16)] = plsc.load_gather(wide, [(t << 7) + 1])
        return carry

    lax.fori_loop(0, ntok // 16, mk, 0)
    cp.wait()
    pltpu.async_copy(rows, disp_hbm.at[dst0], sem).wait()
    pltpu.async_copy(rows, disp_hbm.at[dst1], sem).wait()



def _expert_body(disp_ref, gw_ref, uw_ref, dw_ref, out_ref):
    i = pl.program_id(1)
    d = disp_ref[...]
    g = jnp.dot(d, gw_ref[0], preferred_element_type=jnp.float32)
    u = jnp.dot(d, uw_ref[0], preferred_element_type=jnp.float32)
    h = g * (1.0 / (1.0 + jnp.exp(-g))) * u
    partial = jnp.dot(h, dw_ref[0], preferred_element_type=jnp.float32)

    @pl.when(i == 0)
    def _():
        out_ref[...] = partial

    @pl.when(i != 0)
    def _():
        out_ref[...] += partial


def _experts(disp, gate_w, up_w, down_w):
    return pl.pallas_call(
        _expert_body,
        grid=(NUM_EXPERTS, N_IBLK),
        in_specs=[
            pl.BlockSpec((CAP, HIDDEN), lambda e, i: (e, 0)),
            pl.BlockSpec((1, HIDDEN, I_BLK), lambda e, i: (e, 0, i)),
            pl.BlockSpec((1, HIDDEN, I_BLK), lambda e, i: (e, 0, i)),
            pl.BlockSpec((1, I_BLK, HIDDEN), lambda e, i: (e, i, 0)),
        ],
        out_specs=pl.BlockSpec((CAP, HIDDEN), lambda e, i: (e, 0)),
        out_shape=jax.ShapeDtypeStruct((A, HIDDEN), jnp.float32),
    )(disp, gate_w, up_w, down_w)



def _sc_gather_body(eo_hbm, dstw_hbm, g_hbm, wide, idxv, rows, sem):
    wid = lax.axis_index("s") * SC_NC + lax.axis_index("c")
    ntok = ROWS_W // 2
    lanes = lax.iota(jnp.int32, 16)
    pltpu.sync_copy(dstw_hbm.at[pl.ds(wid * ntok * 128, ntok * 128)], wide)

    def mk(c, carry):
        j = c * 16 + lanes
        idxv[pl.ds(c * 16, 16)] = plsc.load_gather(
            wide, [((j >> 1) << 7) + 2 + (j & 1)])
        return carry

    lax.fori_loop(0, ROWS_W // 16, mk, 0)
    pltpu.async_copy(eo_hbm.at[idxv], rows, sem).wait()
    pltpu.sync_copy(rows, g_hbm.at[pl.ds(wid * ROWS_W, ROWS_W)])


@functools.cache
def _sc_kernels():
    mesh = plsc.VectorSubcoreMesh(
        core_axis_name="c", subcore_axis_name="s",
        num_cores=SC_NC, num_subcores=SC_NS)
    params = pltpu.CompilerParams(needs_layout_passes=False)
    dispatch = pl.kernel(
        _sc_dispatch_body,
        mesh=mesh,
        compiler_params=params,
        out_type=jax.ShapeDtypeStruct((A_PAD, HIDDEN), jnp.float32),
        scratch_types=[
            pltpu.VMEM((ROWS_W // 2 * 128,), jnp.int32),
            pltpu.VMEM((ROWS_W // 2,), jnp.int32),
            pltpu.VMEM((ROWS_W // 2,), jnp.int32),
            pltpu.VMEM((ROWS_W // 2, HIDDEN), jnp.float32),
            pltpu.SemaphoreType.DMA,
        ],
    )
    gather = pl.kernel(
        _sc_gather_body,
        mesh=mesh,
        compiler_params=params,
        out_type=jax.ShapeDtypeStruct((A, HIDDEN), jnp.float32),
        scratch_types=[
            pltpu.VMEM((ROWS_W // 2 * 128,), jnp.int32),
            pltpu.VMEM((ROWS_W,), jnp.int32),
            pltpu.VMEM((ROWS_W, HIDDEN), jnp.float32),
            pltpu.SemaphoreType.DMA,
        ],
    )
    return dispatch, gather



def _combine_body(g_ref, wk_ref, out_ref):
    wk = wk_ref[...]
    out_ref[...] = (g_ref[:, :HIDDEN] * wk[:, 0:1]
                    + g_ref[:, HIDDEN:] * wk[:, 1:2])


_CB = 256


def _combine(g2, wk):
    return pl.pallas_call(
        _combine_body,
        grid=(T // _CB,),
        in_specs=[
            pl.BlockSpec((_CB, TOP_K * HIDDEN), lambda r: (r, 0)),
            pl.BlockSpec((_CB, TOP_K), lambda r: (r, 0)),
        ],
        out_specs=pl.BlockSpec((_CB, HIDDEN), lambda r: (r, 0)),
        out_shape=jax.ShapeDtypeStruct((T, HIDDEN), jnp.float32),
    )(g2, wk)


def kernel(hidden_states, router_w, gate_w, up_w, down_w):
    S_, B_, H = hidden_states.shape
    x = hidden_states.reshape(T, H)
    logits, dstw, wk = _router(x, router_w)
    dstw_flat = dstw.reshape(T * 128)
    sc_dispatch, sc_gather = _sc_kernels()
    disp = sc_dispatch(x, dstw_flat)
    eo = _experts(disp, gate_w, up_w, down_w)
    g = sc_gather(eo, dstw_flat)
    out = _combine(g.reshape(T, TOP_K * HIDDEN), wk)
    return out.reshape(S_, B_, H), logits

# --- scband reference (transcript-rebuilt; emitter-appended) ---
"""Pipeline reference for scband-mo-e-17532056502437 (READ-ONLY COPY).

The authoritative reference and input builder live on the scoring server;
editing this copy changes nothing except your own understanding.
"""

import math
import jax, jax.numpy as jnp
import numpy as np

NUM_EXPERTS = 64
TOP_K = 2
HIDDEN = 768
INTER = 1536
CAP_FACTOR = 1.0
S, B = 2048, 1


def setup_inputs(seed: int = 0) -> dict:
    key = jax.random.key(seed)
    ks = jax.random.split(key, 5)
    hidden_states = jax.random.normal(ks[0], (S, B, HIDDEN), dtype=jnp.float32) * 0.02
    router_w = jax.random.normal(ks[1], (HIDDEN, NUM_EXPERTS), dtype=jnp.float32) * (1.0 / np.sqrt(HIDDEN))
    gate_w = jax.random.normal(ks[2], (NUM_EXPERTS, HIDDEN, INTER), dtype=jnp.float32) * (1.0 / np.sqrt(HIDDEN))
    up_w = jax.random.normal(ks[3], (NUM_EXPERTS, HIDDEN, INTER), dtype=jnp.float32) * (1.0 / np.sqrt(HIDDEN))
    down_w = jax.random.normal(ks[4], (NUM_EXPERTS, INTER, HIDDEN), dtype=jnp.float32) * (1.0 / np.sqrt(INTER))
    return {"hidden_states": hidden_states, "router_w": router_w, "gate_w": gate_w, "up_w": up_w, "down_w": down_w}


def _moe_forward(hidden_states, router_w, gate_w, up_w, down_w):
    S_, B_, H = hidden_states.shape
    T = S_ * B_
    E, K = NUM_EXPERTS, TOP_K
    C = int(math.ceil(T * CAP_FACTOR * K / E))  # expert capacity (token dropping past capacity)
    x = hidden_states.reshape(T, H)
    # RouterTopK
    router_logits = x @ router_w  # (T, E)
    affinities = jax.nn.softmax(router_logits.astype(jnp.float32), axis=-1)
    topk_vals, topk_idx = jax.lax.top_k(affinities, K)  # (T, K)
    # normalize_top_k_affinities=True
    topk_w = topk_vals / jnp.sum(topk_vals, axis=-1, keepdims=True)
    # ExpertMLPsCapacityFactor dispatch (token-major assignment order)
    A = T * K
    expert_flat = topk_idx.reshape(A)  # (A,) int32
    w_flat = topk_w.reshape(A)
    onehot = jax.nn.one_hot(expert_flat, E, dtype=jnp.int32)  # (A, E)
    pos = jnp.sum(jnp.cumsum(onehot, axis=0) * onehot, axis=1) - 1  # position-in-expert per assignment
    keep = (pos < C).astype(x.dtype)
    pos_c = jnp.minimum(pos, C - 1)
    x_rep = jnp.repeat(x, K, axis=0)  # (A, H)
    # scatter tokens into per-expert capacity buffers
    dispatched = jnp.zeros((E, C, H), dtype=x.dtype).at[expert_flat, pos_c].add(x_rep * keep[:, None])
    # GLU expert MLP with silu activation
    gate = jax.nn.silu(jnp.einsum('ech,ehi->eci', dispatched, gate_w))
    up = jnp.einsum('ech,ehi->eci', dispatched, up_w)
    expert_out = jnp.einsum('eci,eih->ech', gate * up, down_w)  # (E, C, H)
    # gather back and combine with normalized affinities
    gathered = expert_out[expert_flat, pos_c]  # (A, H)
    out_flat = gathered * (w_flat * keep)[:, None]
    output = out_flat.reshape(T, K, H).sum(axis=1).reshape(S_, B_, H)
    return output, router_logits


def reference(hidden_states, router_w, gate_w, up_w, down_w):
    # return_router_logits=True -> (output, router_logits)
    return _moe_forward(hidden_states, router_w, gate_w, up_w, down_w)

if __name__ == "__main__":
    import jax
    _d = setup_inputs()
    print(jax.jit(kernel)(*tuple(_d.values())))

</pallas_src>

<mosaic_0001>
#map = affine_map<(d0, d1) -> (0, 0)>
#map1 = affine_map<(d0, d1) -> (0)>
module attributes {stable_mosaic.version = 14 : i64} {
  func.func @_sc_gather_body(%arg0: i32, %arg1: i32, %arg2: memref<4096x768xf32, #tpu.memory_space<hbm>>, %arg3: memref<262144xi32, #tpu.memory_space<hbm>>, %arg4: memref<4096x768xf32, #tpu.memory_space<hbm>>, %arg5: memref<8192xi32, #tpu.memory_space<vmem>>, %arg6: memref<128xi32, #tpu.memory_space<vmem>>, %arg7: memref<128x768xf32, #tpu.memory_space<vmem>>, %arg8: memref<!tpu.dma_semaphore, #tpu.memory_space<semaphore_mem>>) attributes {dimension_semantics = [#tpu.dimension_semantics<core_parallel>, #tpu.dimension_semantics<subcore_parallel>], iteration_bounds = array<i64: 2, 16>, scalar_prefetch = 0 : i64, scratch_operands = 4 : i64, tpu.core_type = #tpu.core_type<sc_vector_subcore>, window_params = [{transform_indices = #map}, {transform_indices = #map1}, {transform_indices = #map}]} {
    %mul3A = arith.constant 2 : i32
    %mul3A_0 = arith.muli %arg1, %mul3A : i32
    %add3A = arith.addi %mul3A_0, %arg0 : i32
    %iota3A = tpu.iota {dimensions = array<i32: 0>} : vector<16xi32>
    %mul3A_1 = arith.constant 64 : i32
    %mul3A_2 = arith.muli %add3A, %mul3A_1 : i32
    %mul3A_3 = arith.constant 128 : i32
    %mul3A_4 = arith.muli %mul3A_2, %mul3A_3 : i32
    "tpu.region"() ({
      %run_scoped3A = tpu.sem_alloc : memref<!tpu.dma_semaphore, #tpu.memory_space<semaphore_mem>>
      %dma_start3A_16 = tpu.memref_slice %arg3[%mul3A_4] : memref<262144xi32, #tpu.memory_space<hbm>> -> memref<8192xi32, #tpu.memory_space<hbm>>
      %dma_start3A_17 = tpu.memref_slice %arg3[%mul3A_4] : memref<262144xi32, #tpu.memory_space<hbm>> -> memref<8192xi32, #tpu.memory_space<hbm>>
      tpu.enqueue_dma source(%dma_start3A_17 : memref<8192xi32, #tpu.memory_space<hbm>>) target(%arg5 : memref<8192xi32, #tpu.memory_space<vmem>>) target_semaphore(%run_scoped3A : memref<!tpu.dma_semaphore, #tpu.memory_space<semaphore_mem>>)
      %dma_wait3A_18 = tpu.memref_slice %arg3[%mul3A_4] : memref<262144xi32, #tpu.memory_space<hbm>> -> memref<8192xi32, #tpu.memory_space<hbm>>
      %dma_wait3A_19 = tpu.memref_slice %arg3[%mul3A_4] : memref<262144xi32, #tpu.memory_space<hbm>> -> memref<8192xi32, #tpu.memory_space<hbm>>
      tpu.wait_dma2 semaphore(%run_scoped3A : memref<!tpu.dma_semaphore, #tpu.memory_space<semaphore_mem>>) src(%dma_wait3A_19 : memref<8192xi32, #tpu.memory_space<hbm>>) dst(%arg5 : memref<8192xi32, #tpu.memory_space<vmem>>)
      tpu.yield
    }) : () -> ()
    %scan3A = arith.constant 0 : i32
    %scan3A_5 = arith.constant 0 : i32
    %scan3A_6 = arith.constant 8 : i32
    %scan3A_7 = arith.addi %scan3A_5, %scan3A_6 : i32
    %scan3A_8 = arith.constant 1 : i32
    scf.for %scan3A_16 = %scan3A_5 to %scan3A_7 step %scan3A_8  : i32 {
      %mul3A_17 = arith.constant 16 : i32
      %mul3A_18 = arith.muli %scan3A_16, %mul3A_17 : i32
      %add3A_19 = vector.broadcast %mul3A_18 : i32 to vector<16xi32>
      %add3A_20 = arith.addi %add3A_19, %iota3A : vector<16xi32>
      %shift_right_arithmetic3A = arith.constant 1 : i32
      %shift_right_arithmetic3A_21 = vector.broadcast %shift_right_arithmetic3A : i32 to vector<16xi32>
      %shift_right_arithmetic3A_22 = arith.shrsi %add3A_20, %shift_right_arithmetic3A_21 : vector<16xi32>
      %shift_left3A = arith.constant 7 : i32
      %shift_left3A_23 = vector.broadcast %shift_left3A : i32 to vector<16xi32>
      %shift_left3A_24 = arith.shli %shift_right_arithmetic3A_22, %shift_left3A_23 : vector<16xi32>
      %add3A_25 = arith.constant 2 : i32
      %add3A_26 = vector.broadcast %add3A_25 : i32 to vector<16xi32>
      %add3A_27 = arith.addi %shift_left3A_24, %add3A_26 : vector<16xi32>
      %and3A = arith.constant 1 : i32
      %and3A_28 = vector.broadcast %and3A : i32 to vector<16xi32>
      %and3A_29 = arith.andi %add3A_20, %and3A_28 : vector<16xi32>
      %add3A_30 = arith.addi %add3A_27, %and3A_29 : vector<16xi32>
      %gather3A = tpu.vector_load_idx %arg5[%add3A_30] : memref<8192xi32, #tpu.memory_space<vmem>>[vector<16xi32>], vector<16xi32>,
      %mul3A_31 = arith.constant 16 : i32
      %mul3A_32 = arith.muli %scan3A_16, %mul3A_31 : i32
      %swap3A = arith.index_cast %mul3A_32 : i32 to index
      %swap3A_33 = tpu.vector_load %arg6[%swap3A] {strides = array<i32>} : memref<128xi32, #tpu.memory_space<vmem>>, vector<16xi32>,
      tpu.vector_store %arg6[%swap3A], %gather3A {strides = array<i32>} : memref<128xi32, #tpu.memory_space<vmem>>, vector<16xi32>,
    }
    %scan3A_9 = arith.constant 8 : i32
    %dma_start3A = arith.constant 0 : i32
    %dma_start3A_10 = arith.constant 0 : i32
    %dma_start3A_11 = tpu.memref_slice %arg2[%dma_start3A, %dma_start3A_10] : memref<4096x768xf32, #tpu.memory_space<hbm>> -> memref<4096x768xf32, #tpu.memory_space<hbm>>
    tpu.enqueue_indirect_dma source(%dma_start3A_11 : memref<4096x768xf32, #tpu.memory_space<hbm>>) target(%arg7 : memref<128x768xf32, #tpu.memory_space<vmem>>) offsets(%arg6 : memref<128xi32, #tpu.memory_space<vmem>>) semaphore(%arg8 : memref<!tpu.dma_semaphore, #tpu.memory_space<semaphore_mem>>)
    %dma_wait3A = arith.constant 0 : i32
    %dma_wait3A_12 = arith.constant 0 : i32
    %dma_wait3A_13 = tpu.memref_slice %arg2[%dma_wait3A, %dma_wait3A_12] : memref<4096x768xf32, #tpu.memory_space<hbm>> -> memref<4096x768xf32, #tpu.memory_space<hbm>>
    tpu.wait_indirect_dma semaphore(%arg8 : memref<!tpu.dma_semaphore, #tpu.memory_space<semaphore_mem>>) src(%dma_wait3A_13 : memref<4096x768xf32, #tpu.memory_space<hbm>>) dst(%arg7 : memref<128x768xf32, #tpu.memory_space<vmem>>)
    %mul3A_14 = arith.constant 128 : i32
    %mul3A_15 = arith.muli %add3A, %mul3A_14 : i32
    "tpu.region"() ({
      %run_scoped3A = tpu.sem_alloc : memref<!tpu.dma_semaphore, #tpu.memory_space<semaphore_mem>>
      %dma_start3A_16 = arith.constant 0 : i32
      %dma_start3A_17 = tpu.memref_slice %arg4[%mul3A_15, %dma_start3A_16] : memref<4096x768xf32, #tpu.memory_space<hbm>> -> memref<128x768xf32, #tpu.memory_space<hbm>>
      %dma_start3A_18 = arith.constant 0 : i32
      %dma_start3A_19 = tpu.memref_slice %arg4[%mul3A_15, %dma_start3A_18] : memref<4096x768xf32, #tpu.memory_space<hbm>> -> memref<128x768xf32, #tpu.memory_space<hbm>>
      tpu.enqueue_dma source(%arg7 : memref<128x768xf32, #tpu.memory_space<vmem>>) target(%dma_start3A_19 : memref<128x768xf32, #tpu.memory_space<hbm>>) target_semaphore(%run_scoped3A : memref<!tpu.dma_semaphore, #tpu.memory_space<semaphore_mem>>)
      %dma_wait3A_20 = arith.constant 0 : i32
      %dma_wait3A_21 = tpu.memref_slice %arg4[%mul3A_15, %dma_wait3A_20] : memref<4096x768xf32, #tpu.memory_space<hbm>> -> memref<128x768xf32, #tpu.memory_space<hbm>>
      %dma_wait3A_22 = arith.constant 0 : i32
      %dma_wait3A_23 = tpu.memref_slice %arg4[%mul3A_15, %dma_wait3A_22] : memref<4096x768xf32, #tpu.memory_space<hbm>> -> memref<128x768xf32, #tpu.memory_space<hbm>>
      tpu.wait_dma2 semaphore(%run_scoped3A : memref<!tpu.dma_semaphore, #tpu.memory_space<semaphore_mem>>) src(%arg7 : memref<128x768xf32, #tpu.memory_space<vmem>>) dst(%dma_wait3A_23 : memref<128x768xf32, #tpu.memory_space<hbm>>)
      tpu.yield
    }) : () -> ()
    return
  }
}

#map = affine_map<(d0, d1) -> (0, 0)>
#map1 = affine_map<(d0, d1) -> (0)>
module attributes {stable_mosaic.version = 14 : i64} {
  func.func @_sc_dispatch_body(%arg0: i32, %arg1: i32, %arg2: memref<2048x768xf32, #tpu.memory_space<hbm>>, %arg3: memref<262144xi32, #tpu.memory_space<hbm>>, %arg4: memref<4160x768xf32, #tpu.memory_space<hbm>>, %arg5: memref<8192xi32, #tpu.memory_space<vmem>>, %arg6: memref<64xi32, #tpu.memory_space<vmem>>, %arg7: memref<64xi32, #tpu.memory_space<vmem>>, %arg8: memref<64x768xf32, #tpu.memory_space<vmem>>, %arg9: memref<!tpu.dma_semaphore, #tpu.memory_space<semaphore_mem>>) attributes {dimension_semantics = [#tpu.dimension_semantics<core_parallel>, #tpu.dimension_semantics<subcore_parallel>], iteration_bounds = array<i64: 2, 16>, scalar_prefetch = 0 : i64, scratch_operands = 5 : i64, tpu.core_type = #tpu.core_type<sc_vector_subcore>, window_params = [{transform_indices = #map}, {transform_indices = #map1}, {transform_indices = #map}]} {
    %mul3A = arith.constant 2 : i32
    %mul3A_0 = arith.muli %arg1, %mul3A : i32
    %add3A = arith.addi %mul3A_0, %arg0 : i32
    %iota3A = tpu.iota {dimensions = array<i32: 0>} : vector<16xi32>
    %mul3A_1 = arith.constant 64 : i32
    %mul3A_2 = arith.muli %add3A, %mul3A_1 : i32
    %mul3A_3 = arith.constant 128 : i32
    %mul3A_4 = arith.muli %mul3A_2, %mul3A_3 : i32
    "tpu.region"() ({
      %run_scoped3A = tpu.sem_alloc : memref<!tpu.dma_semaphore, #tpu.memory_space<semaphore_mem>>
      %dma_start3A_30 = tpu.memref_slice %arg3[%mul3A_4] : memref<262144xi32, #tpu.memory_space<hbm>> -> memref<8192xi32, #tpu.memory_space<hbm>>
      %dma_start3A_31 = tpu.memref_slice %arg3[%mul3A_4] : memref<262144xi32, #tpu.memory_space<hbm>> -> memref<8192xi32, #tpu.memory_space<hbm>>
      tpu.enqueue_dma source(%dma_start3A_31 : memref<8192xi32, #tpu.memory_space<hbm>>) target(%arg5 : memref<8192xi32, #tpu.memory_space<vmem>>) target_semaphore(%run_scoped3A : memref<!tpu.dma_semaphore, #tpu.memory_space<semaphore_mem>>)
      %dma_wait3A_32 = tpu.memref_slice %arg3[%mul3A_4] : memref<262144xi32, #tpu.memory_space<hbm>> -> memref<8192xi32, #tpu.memory_space<hbm>>
      %dma_wait3A_33 = tpu.memref_slice %arg3[%mul3A_4] : memref<262144xi32, #tpu.memory_space<hbm>> -> memref<8192xi32, #tpu.memory_space<hbm>>
      tpu.wait_dma2 semaphore(%run_scoped3A : memref<!tpu.dma_semaphore, #tpu.memory_space<semaphore_mem>>) src(%dma_wait3A_33 : memref<8192xi32, #tpu.memory_space<hbm>>) dst(%arg5 : memref<8192xi32, #tpu.memory_space<vmem>>)
      tpu.yield
    }) : () -> ()
    %mul3A_5 = arith.constant 64 : i32
    %mul3A_6 = arith.muli %add3A, %mul3A_5 : i32
    %dma_start3A = arith.constant 0 : i32
    %dma_start3A_7 = tpu.memref_slice %arg2[%mul3A_6, %dma_start3A] : memref<2048x768xf32, #tpu.memory_space<hbm>> -> memref<64x768xf32, #tpu.memory_space<hbm>>
    %dma_start3A_8 = arith.constant 0 : i32
    %dma_start3A_9 = tpu.memref_slice %arg2[%mul3A_6, %dma_start3A_8] : memref<2048x768xf32, #tpu.memory_space<hbm>> -> memref<64x768xf32, #tpu.memory_space<hbm>>
    tpu.enqueue_dma source(%dma_start3A_9 : memref<64x768xf32, #tpu.memory_space<hbm>>) target(%arg8 : memref<64x768xf32, #tpu.memory_space<vmem>>) target_semaphore(%arg9 : memref<!tpu.dma_semaphore, #tpu.memory_space<semaphore_mem>>)
    %scan3A = arith.constant 0 : i32
    %scan3A_10 = arith.constant 0 : i32
    %scan3A_11 = arith.constant 4 : i32
    %scan3A_12 = arith.addi %scan3A_10, %scan3A_11 : i32
    %scan3A_13 = arith.constant 1 : i32
    scf.for %scan3A_30 = %scan3A_10 to %scan3A_12 step %scan3A_13  : i32 {
      %mul3A_31 = arith.constant 16 : i32
      %mul3A_32 = arith.muli %scan3A_30, %mul3A_31 : i32
      %add3A_33 = vector.broadcast %mul3A_32 : i32 to vector<16xi32>
      %add3A_34 = arith.addi %add3A_33, %iota3A : vector<16xi32>
      %shift_left3A = arith.constant 7 : i32
      %shift_left3A_35 = vector.broadcast %shift_left3A : i32 to vector<16xi32>
      %shift_left3A_36 = arith.shli %add3A_34, %shift_left3A_35 : vector<16xi32>
      %gather3A = tpu.vector_load_idx %arg5[%shift_left3A_36] : memref<8192xi32, #tpu.memory_space<vmem>>[vector<16xi32>], vector<16xi32>,
      %mul3A_37 = arith.constant 16 : i32
      %mul3A_38 = arith.muli %scan3A_30, %mul3A_37 : i32
      %swap3A = arith.index_cast %mul3A_38 : i32 to index
      %swap3A_39 = tpu.vector_load %arg6[%swap3A] {strides = array<i32>} : memref<64xi32, #tpu.memory_space<vmem>>, vector<16xi32>,
      tpu.vector_store %arg6[%swap3A], %gather3A {strides = array<i32>} : memref<64xi32, #tpu.memory_space<vmem>>, vector<16xi32>,
      %shift_left3A_40 = arith.constant 7 : i32
      %shift_left3A_41 = vector.broadcast %shift_left3A_40 : i32 to vector<16xi32>
      %shift_left3A_42 = arith.shli %add3A_34, %shift_left3A_41 : vector<16xi32>
      %add3A_43 = arith.constant 1 : i32
      %add3A_44 = vector.broadcast %add3A_43 : i32 to vector<16xi32>
      %add3A_45 = arith.addi %shift_left3A_42, %add3A_44 : vector<16xi32>
      %gather3A_46 = tpu.vector_load_idx %arg5[%add3A_45] : memref<8192xi32, #tpu.memory_space<vmem>>[vector<16xi32>], vector<16xi32>,
      %mul3A_47 = arith.constant 16 : i32
      %mul3A_48 = arith.muli %scan3A_30, %mul3A_47 : i32
      %swap3A_49 = arith.index_cast %mul3A_48 : i32 to index
      %swap3A_50 = tpu.vector_load %arg7[%swap3A_49] {strides = array<i32>} : memref<64xi32, #tpu.memory_space<vmem>>, vector<16xi32>,
      tpu.vector_store %arg7[%swap3A_49], %gather3A_46 {strides = array<i32>} : memref<64xi32, #tpu.memory_space<vmem>>, vector<16xi32>,
    }
    %scan3A_14 = arith.constant 4 : i32
    %dma_wait3A = arith.constant 0 : i32
    %dma_wait3A_15 = tpu.memref_slice %arg2[%mul3A_6, %dma_wait3A] : memref<2048x768xf32, #tpu.memory_space<hbm>> -> memref<64x768xf32, #tpu.memory_space<hbm>>
    %dma_wait3A_16 = arith.constant 0 : i32
    %dma_wait3A_17 = tpu.memref_slice %arg2[%mul3A_6, %dma_wait3A_16] : memref<2048x768xf32, #tpu.memory_space<hbm>> -> memref<64x768xf32, #tpu.memory_space<hbm>>
    tpu.wait_dma2 semaphore(%arg9 : memref<!tpu.dma_semaphore, #tpu.memory_space<semaphore_mem>>) src(%dma_wait3A_17 : memref<64x768xf32, #tpu.memory_space<hbm>>) dst(%arg8 : memref<64x768xf32, #tpu.memory_space<vmem>>)
    %dma_start3A_18 = arith.constant 0 : i32
    %dma_start3A_19 = arith.constant 0 : i32
    %dma_start3A_20 = tpu.memref_slice %arg4[%dma_start3A_18, %dma_start3A_19] : memref<4160x768xf32, #tpu.memory_space<hbm>> -> memref<4160x768xf32, #tpu.memory_space<hbm>>
    tpu.enqueue_indirect_dma source(%arg8 : memref<64x768xf32, #tpu.memory_space<vmem>>) target(%dma_start3A_20 : memref<4160x768xf32, #tpu.memory_space<hbm>>) offsets(%arg6 : memref<64xi32, #tpu.memory_space<vmem>>) semaphore(%arg9 : memref<!tpu.dma_semaphore, #tpu.memory_space<semaphore_mem>>)
    %dma_wait3A_21 = arith.constant 0 : i32
    %dma_wait3A_22 = arith.constant 0 : i32
    %dma_wait3A_23 = tpu.memref_slice %arg4[%dma_wait3A_21, %dma_wait3A_22] : memref<4160x768xf32, #tpu.memory_space<hbm>> -> memref<4160x768xf32, #tpu.memory_space<hbm>>
    tpu.wait_indirect_dma semaphore(%arg9 : memref<!tpu.dma_semaphore, #tpu.memory_space<semaphore_mem>>) src(%arg8 : memref<64x768xf32, #tpu.memory_space<vmem>>) dst(%dma_wait3A_23 : memref<4160x768xf32, #tpu.memory_space<hbm>>)
    %dma_start3A_24 = arith.constant 0 : i32
    %dma_start3A_25 = arith.constant 0 : i32
    %dma_start3A_26 = tpu.memref_slice %arg4[%dma_start3A_24, %dma_start3A_25] : memref<4160x768xf32, #tpu.memory_space<hbm>> -> memref<4160x768xf32, #tpu.memory_space<hbm>>
    tpu.enqueue_indirect_dma source(%arg8 : memref<64x768xf32, #tpu.memory_space<vmem>>) target(%dma_start3A_26 : memref<4160x768xf32, #tpu.memory_space<hbm>>) offsets(%arg7 : memref<64xi32, #tpu.memory_space<vmem>>) semaphore(%arg9 : memref<!tpu.dma_semaphore, #tpu.memory_space<semaphore_mem>>)
    %dma_wait3A_27 = arith.constant 0 : i32
    %dma_wait3A_28 = arith.constant 0 : i32
    %dma_wait3A_29 = tpu.memref_slice %arg4[%dma_wait3A_27, %dma_wait3A_28] : memref<4160x768xf32, #tpu.memory_space<hbm>> -> memref<4160x768xf32, #tpu.memory_space<hbm>>
    tpu.wait_indirect_dma semaphore(%arg9 : memref<!tpu.dma_semaphore, #tpu.memory_space<semaphore_mem>>) src(%arg8 : memref<64x768xf32, #tpu.memory_space<vmem>>) dst(%dma_wait3A_29 : memref<4160x768xf32, #tpu.memory_space<hbm>>)
    return
  }
}

module attributes {stable_mosaic.version = 14 : i64} {
  func.func @_expert_body(%arg0: i32, %arg1: i32, %arg2: memref<64x768xf32, #tpu.memory_space<vmem>>, %arg3: memref<1x768x768xf32, #tpu.memory_space<vmem>>, %arg4: memref<1x768x768xf32, #tpu.memory_space<vmem>>, %arg5: memref<1x768x768xf32, #tpu.memory_space<vmem>>, %arg6: memref<64x768xf32, #tpu.memory_space<vmem>>) attributes {dimension_semantics = [#tpu.dimension_semantics<arbitrary>, #tpu.dimension_semantics<arbitrary>], iteration_bounds = array<i64: 64, 2>, scalar_prefetch = 0 : i64, scratch_operands = 0 : i64, tpu.core_type = #tpu.core_type<tc>, window_params = [{transform_indices = @transform_0, window_bounds = array<i64: 64, 768>}, {transform_indices = @transform_1, window_bounds = array<i64: 1, 768, 768>}, {transform_indices = @transform_2, window_bounds = array<i64: 1, 768, 768>}, {transform_indices = @transform_3, window_bounds = array<i64: 1, 768, 768>}, {transform_indices = @transform_4, window_bounds = array<i64: 64, 768>}]} {
    %get3A = arith.constant 0 : index
    %get3A_0 = arith.constant 0 : index
    %get3A_1 = vector.load %arg2[%get3A, %get3A_0] : memref<64x768xf32, #tpu.memory_space<vmem>>, vector<64x768xf32>
    %get3A_2 = arith.constant 0 : index
    %get3A_3 = arith.constant 0 : index
    %get3A_4 = arith.constant 0 : index
    %get3A_5 = vector.load %arg3[%get3A_2, %get3A_3, %get3A_4] : memref<1x768x768xf32, #tpu.memory_space<vmem>>, vector<1x768x768xf32>
    %get3A_6 = vector.shape_cast %get3A_5 : vector<1x768x768xf32> to vector<768x768xf32>
    %dot_general3A = arith.constant dense<0.000000e+00> : vector<64x768xf32>
    %dot_general3A_7 = tpu.matmul %get3A_1, %get3A_6, %dot_general3A {dimension_numbers = #tpu.dot_dimension_numbers<[1], [0], [0], [1], [0, 0, 1, 1], [], []>, transpose_lhs_hint = false} : vector<64x768xf32>, vector<768x768xf32>, vector<64x768xf32> -> vector<64x768xf32>
    %get3A_8 = arith.constant 0 : index
    %get3A_9 = arith.constant 0 : index
    %get3A_10 = arith.constant 0 : index
    %get3A_11 = vector.load %arg4[%get3A_8, %get3A_9, %get3A_10] : memref<1x768x768xf32, #tpu.memory_space<vmem>>, vector<1x768x768xf32>
    %get3A_12 = vector.shape_cast %get3A_11 : vector<1x768x768xf32> to vector<768x768xf32>
    %dot_general3A_13 = arith.constant dense<0.000000e+00> : vector<64x768xf32>
    %dot_general3A_14 = tpu.matmul %get3A_1, %get3A_12, %dot_general3A_13 {dimension_numbers = #tpu.dot_dimension_numbers<[1], [0], [0], [1], [0, 0, 1, 1], [], []>, transpose_lhs_hint = false} : vector<64x768xf32>, vector<768x768xf32>, vector<64x768xf32> -> vector<64x768xf32>
    %neg3A = arith.constant 0.000000e+00 : f32
    %neg3A_15 = vector.broadcast %neg3A : f32 to vector<64x768xf32>
    %neg3A_16 = arith.subf %neg3A_15, %dot_general3A_7 : vector<64x768xf32>
    %exp3A = math.exp %neg3A_16 : vector<64x768xf32>
    %add3A = arith.constant 1.000000e+00 : f32
    %add3A_17 = vector.broadcast %add3A : f32 to vector<64x768xf32>
    %add3A_18 = arith.addf %add3A_17, %exp3A : vector<64x768xf32>
    %div3A = arith.constant 1.000000e+00 : f32
    %div3A_19 = vector.broadcast %div3A : f32 to vector<64x768xf32>
    %div3A_20 = arith.divf %div3A_19, %add3A_18 : vector<64x768xf32>
    %mul3A = arith.mulf %dot_general3A_7, %div3A_20 : vector<64x768xf32>
    %mul3A_21 = arith.mulf %mul3A, %dot_general3A_14 : vector<64x768xf32>
    %get3A_22 = arith.constant 0 : index
    %get3A_23 = arith.constant 0 : index
    %get3A_24 = arith.constant 0 : index
    %get3A_25 = vector.load %arg5[%get3A_22, %get3A_23, %get3A_24] : memref<1x768x768xf32, #tpu.memory_space<vmem>>, vector<1x768x768xf32>
    %get3A_26 = vector.shape_cast %get3A_25 : vector<1x768x768xf32> to vector<768x768xf32>
    %dot_general3A_27 = arith.constant dense<0.000000e+00> : vector<64x768xf32>
    %dot_general3A_28 = tpu.matmul %mul3A_21, %get3A_26, %dot_general3A_27 {dimension_numbers = #tpu.dot_dimension_numbers<[1], [0], [0], [1], [0, 0, 1, 1], [], []>, transpose_lhs_hint = false} : vector<64x768xf32>, vector<768x768xf32>, vector<64x768xf32> -> vector<64x768xf32>
    %eq3A = arith.constant 0 : i32
    %eq3A_29 = arith.cmpi eq, %arg1, %eq3A : i32
    %convert_element_type3A = arith.extui %eq3A_29 : i1 to i32
    %cond3A = arith.constant 0 : i32
    %cond3A_30 = arith.cmpi ne, %convert_element_type3A, %cond3A : i32
    scf.if %cond3A_30 {
      %swap3A = arith.constant 0 : index
      %swap3A_35 = arith.constant 0 : index
      %swap3A_36 = vector.load %arg6[%swap3A, %swap3A_35] : memref<64x768xf32, #tpu.memory_space<vmem>>, vector<64x768xf32>
      tpu.vector_store %arg6[%swap3A, %swap3A_35], %dot_general3A_28 {strides = array<i32>} : memref<64x768xf32, #tpu.memory_space<vmem>>, vector<64x768xf32>,
    } else {
    }
    %ne3A = arith.constant 0 : i32
    %ne3A_31 = arith.cmpi ne, %arg1, %ne3A : i32
    %convert_element_type3A_32 = arith.extui %ne3A_31 : i1 to i32
    %cond3A_33 = arith.constant 0 : i32
    %cond3A_34 = arith.cmpi ne, %convert_element_type3A_32, %cond3A_33 : i32
    scf.if %cond3A_34 {
      %get3A_35 = arith.constant 0 : index
      %get3A_36 = arith.constant 0 : index
      %get3A_37 = vector.load %arg6[%get3A_35, %get3A_36] : memref<64x768xf32, #tpu.memory_space<vmem>>, vector<64x768xf32>
      %add3A_38 = arith.addf %get3A_37, %dot_general3A_28 : vector<64x768xf32>
      %swap3A = arith.constant 0 : index
      %swap3A_39 = arith.constant 0 : index
      %swap3A_40 = vector.load %arg6[%swap3A, %swap3A_39] : memref<64x768xf32, #tpu.memory_space<vmem>>, vector<64x768xf32>
      tpu.vector_store %arg6[%swap3A, %swap3A_39], %add3A_38 {strides = array<i32>} : memref<64x768xf32, #tpu.memory_space<vmem>>, vector<64x768xf32>,
    } else {
    }
    return
  }
  func.func @transform_0(%arg0: i32, %arg1: i32) -> (i32, i32) {
    %c0_i32 = arith.constant 0 : i32
    %c0_i32_0 = arith.constant 0 : i32
    return %arg0, %c0_i32 : i32, i32
  }
  func.func @transform_1(%arg0: i32, %arg1: i32) -> (i32, i32, i32) {
    %c0_i32 = arith.constant 0 : i32
    %c0_i32_0 = arith.constant 0 : i32
    return %arg0, %c0_i32, %arg1 : i32, i32, i32
  }
  func.func @transform_2(%arg0: i32, %arg1: i32) -> (i32, i32, i32) {
    %c0_i32 = arith.constant 0 : i32
    %c0_i32_0 = arith.constant 0 : i32
    return %arg0, %c0_i32, %arg1 : i32, i32, i32
  }
  func.func @transform_3(%arg0: i32, %arg1: i32) -> (i32, i32, i32) {
    %c0_i32 = arith.constant 0 : i32
    %c0_i32_0 = arith.constant 0 : i32
    return %arg0, %arg1, %c0_i32 : i32, i32, i32
  }
  func.func @transform_4(%arg0: i32, %arg1: i32) -> (i32, i32) {
    %c0_i32 = arith.constant 0 : i32
    %c0_i32_0 = arith.constant 0 : i32
    return %arg0, %c0_i32 : i32, i32
  }
}

module attributes {stable_mosaic.version = 14 : i64} {
  func.func @_router_body(%arg0: memref<2048x768xf32, #tpu.memory_space<vmem>>, %arg1: memref<768x64xf32, #tpu.memory_space<vmem>>, %arg2: memref<2048x64xf32, #tpu.memory_space<vmem>>, %arg3: memref<2048x128xi32, #tpu.memory_space<vmem>>, %arg4: memref<2048x2xf32, #tpu.memory_space<vmem>>) attributes {dimension_semantics = [], scalar_prefetch = 0 : i64, scratch_operands = 0 : i64, tpu.core_type = #tpu.core_type<tc>} {
    %get3A = arith.constant 0 : index
    %get3A_0 = arith.constant 0 : index
    %get3A_1 = vector.load %arg0[%get3A, %get3A_0] : memref<2048x768xf32, #tpu.memory_space<vmem>>, vector<2048x768xf32>
    %get3A_2 = arith.constant 0 : index
    %get3A_3 = arith.constant 0 : index
    %get3A_4 = vector.load %arg1[%get3A_2, %get3A_3] : memref<768x64xf32, #tpu.memory_space<vmem>>, vector<768x64xf32>
    %dot_general3A = arith.constant dense<0.000000e+00> : vector<2048x64xf32>
    %dot_general3A_5 = tpu.matmul %get3A_1, %get3A_4, %dot_general3A {dimension_numbers = #tpu.dot_dimension_numbers<[1], [0], [0], [1], [0, 0, 1, 1], [], []>, transpose_lhs_hint = false} : vector<2048x768xf32>, vector<768x64xf32>, vector<2048x64xf32> -> vector<2048x64xf32>
    %swap3A = arith.constant 0 : index
    %swap3A_6 = arith.constant 0 : index
    %swap3A_7 = vector.load %arg2[%swap3A, %swap3A_6] : memref<2048x64xf32, #tpu.memory_space<vmem>>, vector<2048x64xf32>
    tpu.vector_store %arg2[%swap3A, %swap3A_6], %dot_general3A_5 {strides = array<i32>} : memref<2048x64xf32, #tpu.memory_space<vmem>>, vector<2048x64xf32>,
    %reduce_max3A = arith.constant dense<0xFF800000> : vector<2048xf32>
    %reduce_max3A_8 = vector.multi_reduction <maximumf>, %dot_general3A_5, %reduce_max3A [1] : vector<2048x64xf32> to vector<2048xf32>
    %broadcast_in_dim3A = vector.shape_cast %reduce_max3A_8 : vector<2048xf32> to vector<2048x1xf32>
    %sub3A = vector.broadcast %broadcast_in_dim3A : vector<2048x1xf32> to vector<2048x64xf32>
    %sub3A_9 = arith.subf %dot_general3A_5, %sub3A : vector<2048x64xf32>
    %exp3A = math.exp %sub3A_9 : vector<2048x64xf32>
    %reduce_sum3A = arith.constant dense<0.000000e+00> : vector<2048xf32>
    %reduce_sum3A_10 = vector.multi_reduction <add>, %exp3A, %reduce_sum3A [1] : vector<2048x64xf32> to vector<2048xf32>
    %broadcast_in_dim3A_11 = vector.shape_cast %reduce_sum3A_10 : vector<2048xf32> to vector<2048x1xf32>
    %div3A = vector.broadcast %broadcast_in_dim3A_11 : vector<2048x1xf32> to vector<2048x64xf32>
    %div3A_12 = arith.divf %exp3A, %div3A : vector<2048x64xf32>
    %iota3A = tpu.iota {dimensions = array<i32: 1>} : vector<2048x64xi32>
    %reduce_max3A_13 = arith.constant dense<0xFF800000> : vector<2048xf32>
    %reduce_max3A_14 = vector.multi_reduction <maximumf>, %div3A_12, %reduce_max3A_13 [1] : vector<2048x64xf32> to vector<2048xf32>
    %broadcast_in_dim3A_15 = vector.shape_cast %reduce_max3A_14 : vector<2048xf32> to vector<2048x1xf32>
    %eq3A = vector.broadcast %broadcast_in_dim3A_15 : vector<2048x1xf32> to vector<2048x64xf32>
    %eq3A_16 = arith.cmpf oeq, %div3A_12, %eq3A : vector<2048x64xf32>
    %jit3A = arith.constant 64 : i32
    %broadcast_in_dim3A_17 = vector.broadcast %jit3A : i32 to vector<2048x64xi32>
    %select_n3A = arith.select %eq3A_16, %iota3A, %broadcast_in_dim3A_17 : vector<2048x64xi1>, vector<2048x64xi32>
    %reduce_min3A = arith.constant dense<2147483647> : vector<2048xi32>
    %reduce_min3A_18 = vector.multi_reduction <minsi>, %select_n3A, %reduce_min3A [1] : vector<2048x64xi32> to vector<2048xi32>
    %broadcast_in_dim3A_19 = vector.shape_cast %reduce_min3A_18 : vector<2048xi32> to vector<2048x1xi32>
    %eq3A_20 = vector.broadcast %broadcast_in_dim3A_19 : vector<2048x1xi32> to vector<2048x64xi32>
    %eq3A_21 = arith.cmpi eq, %iota3A, %eq3A_20 : vector<2048x64xi32>
    %jit3A_22 = arith.constant -1.000000e+00 : f32
    %broadcast_in_dim3A_23 = vector.broadcast %jit3A_22 : f32 to vector<2048x64xf32>
    %select_n3A_24 = arith.select %eq3A_21, %broadcast_in_dim3A_23, %div3A_12 : vector<2048x64xi1>, vector<2048x64xf32>
    %reduce_max3A_25 = arith.constant dense<0xFF800000> : vector<2048xf32>
    %reduce_max3A_26 = vector.multi_reduction <maximumf>, %select_n3A_24, %reduce_max3A_25 [1] : vector<2048x64xf32> to vector<2048xf32>
    %broadcast_in_dim3A_27 = vector.shape_cast %reduce_max3A_26 : vector<2048xf32> to vector<2048x1xf32>
    %eq3A_28 = vector.broadcast %broadcast_in_dim3A_27 : vector<2048x1xf32> to vector<2048x64xf32>
    %eq3A_29 = arith.cmpf oeq, %select_n3A_24, %eq3A_28 : vector<2048x64xf32>
    %jit3A_30 = arith.constant 64 : i32
    %broadcast_in_dim3A_31 = vector.broadcast %jit3A_30 : i32 to vector<2048x64xi32>
    %select_n3A_32 = arith.select %eq3A_29, %iota3A, %broadcast_in_dim3A_31 : vector<2048x64xi1>, vector<2048x64xi32>
    %reduce_min3A_33 = arith.constant dense<2147483647> : vector<2048xi32>
    %reduce_min3A_34 = vector.multi_reduction <minsi>, %select_n3A_32, %reduce_min3A_33 [1] : vector<2048x64xi32> to vector<2048xi32>
    %broadcast_in_dim3A_35 = vector.shape_cast %reduce_min3A_34 : vector<2048xi32> to vector<2048x1xi32>
    %add3A = arith.addf %broadcast_in_dim3A_15, %broadcast_in_dim3A_27 : vector<2048x1xf32>
    %div3A_36 = arith.divf %broadcast_in_dim3A_15, %add3A : vector<2048x1xf32>
    %div3A_37 = arith.divf %broadcast_in_dim3A_27, %add3A : vector<2048x1xf32>
    %eq3A_38 = vector.broadcast %broadcast_in_dim3A_19 : vector<2048x1xi32> to vector<2048x64xi32>
    %eq3A_39 = arith.cmpi eq, %iota3A, %eq3A_38 : vector<2048x64xi32>
    %convert_element_type3A = arith.extui %eq3A_39 : vector<2048x64xi1> to vector<2048x64xi32>
    %convert_element_type3A_40 = arith.sitofp %convert_element_type3A : vector<2048x64xi32> to vector<2048x64xf32>
    %eq3A_41 = vector.broadcast %broadcast_in_dim3A_35 : vector<2048x1xi32> to vector<2048x64xi32>
    %eq3A_42 = arith.cmpi eq, %iota3A, %eq3A_41 : vector<2048x64xi32>
    %convert_element_type3A_43 = arith.extui %eq3A_42 : vector<2048x64xi1> to vector<2048x64xi32>
    %convert_element_type3A_44 = arith.sitofp %convert_element_type3A_43 : vector<2048x64xi32> to vector<2048x64xf32>
    %add3A_45 = arith.addf %convert_element_type3A_40, %convert_element_type3A_44 : vector<2048x64xf32>
    %broadcast_in_dim3A_46 = arith.constant 0.000000e+00 : f32
    %broadcast_in_dim3A_47 = vector.broadcast %broadcast_in_dim3A_46 : f32 to vector<1x64xf32>
    %slice3A = vector.extract_strided_slice %add3A_45 {offsets = [0, 0], sizes = [2047, 64], strides = [1, 1]} : vector<2048x64xf32> to vector<2047x64xf32>
    %concatenate3A = tpu.concatenate %broadcast_in_dim3A_47, %slice3A in 0 : vector<1x64xf32>, vector<2047x64xf32> -> vector<2048x64xf32>
    %add3A_48 = arith.addf %add3A_45, %concatenate3A : vector<2048x64xf32>
    %broadcast_in_dim3A_49 = arith.constant 0.000000e+00 : f32
    %broadcast_in_dim3A_50 = vector.broadcast %broadcast_in_dim3A_49 : f32 to vector<2x64xf32>
    %slice3A_51 = vector.extract_strided_slice %add3A_48 {offsets = [0, 0], sizes = [2046, 64], strides = [1, 1]} : vector<2048x64xf32> to vector<2046x64xf32>
    %concatenate3A_52 = tpu.concatenate %broadcast_in_dim3A_50, %slice3A_51 in 0 : vector<2x64xf32>, vector<2046x64xf32> -> vector<2048x64xf32>
    %add3A_53 = arith.addf %add3A_48, %concatenate3A_52 : vector<2048x64xf32>
    %broadcast_in_dim3A_54 = arith.constant 0.000000e+00 : f32
    %broadcast_in_dim3A_55 = vector.broadcast %broadcast_in_dim3A_54 : f32 to vector<4x64xf32>
    %slice3A_56 = vector.extract_strided_slice %add3A_53 {offsets = [0, 0], sizes = [2044, 64], strides = [1, 1]} : vector<2048x64xf32> to vector<2044x64xf32>
    %concatenate3A_57 = tpu.concatenate %broadcast_in_dim3A_55, %slice3A_56 in 0 : vector<4x64xf32>, vector<2044x64xf32> -> vector<2048x64xf32>
    %add3A_58 = arith.addf %add3A_53, %concatenate3A_57 : vector<2048x64xf32>
    %broadcast_in_dim3A_59 = arith.constant 0.000000e+00 : f32
    %broadcast_in_dim3A_60 = vector.broadcast %broadcast_in_dim3A_59 : f32 to vector<8x64xf32>
    %slice3A_61 = vector.extract_strided_slice %add3A_58 {offsets = [0, 0], sizes = [2040, 64], strides = [1, 1]} : vector<2048x64xf32> to vector<2040x64xf32>
    %concatenate3A_62 = tpu.concatenate %broadcast_in_dim3A_60, %slice3A_61 in 0 : vector<8x64xf32>, vector<2040x64xf32> -> vector<2048x64xf32>
    %add3A_63 = arith.addf %add3A_58, %concatenate3A_62 : vector<2048x64xf32>
    %broadcast_in_dim3A_64 = arith.constant 0.000000e+00 : f32
    %broadcast_in_dim3A_65 = vector.broadcast %broadcast_in_dim3A_64 : f32 to vector<16x64xf32>
    %slice3A_66 = vector.extract_strided_slice %add3A_63 {offsets = [0, 0], sizes = [2032, 64], strides = [1, 1]} : vector<2048x64xf32> to vector<2032x64xf32>
    %concatenate3A_67 = tpu.concatenate %broadcast_in_dim3A_65, %slice3A_66 in 0 : vector<16x64xf32>, vector<2032x64xf32> -> vector<2048x64xf32>
    %add3A_68 = arith.addf %add3A_63, %concatenate3A_67 : vector<2048x64xf32>
    %broadcast_in_dim3A_69 = arith.constant 0.000000e+00 : f32
    %broadcast_in_dim3A_70 = vector.broadcast %broadcast_in_dim3A_69 : f32 to vector<32x64xf32>
    %slice3A_71 = vector.extract_strided_slice %add3A_68 {offsets = [0, 0], sizes = [2016, 64], strides = [1, 1]} : vector<2048x64xf32> to vector<2016x64xf32>
    %concatenate3A_72 = tpu.concatenate %broadcast_in_dim3A_70, %slice3A_71 in 0 : vector<32x64xf32>, vector<2016x64xf32> -> vector<2048x64xf32>
    %add3A_73 = arith.addf %add3A_68, %concatenate3A_72 : vector<2048x64xf32>
    %broadcast_in_dim3A_74 = arith.constant 0.000000e+00 : f32
    %broadcast_in_dim3A_75 = vector.broadcast %broadcast_in_dim3A_74 : f32 to vector<64x64xf32>
    %slice3A_76 = vector.extract_strided_slice %add3A_73 {offsets = [0, 0], sizes = [1984, 64], strides = [1, 1]} : vector<2048x64xf32> to vector<1984x64xf32>
    %concatenate3A_77 = tpu.concatenate %broadcast_in_dim3A_75, %slice3A_76 in 0 : vector<64x64xf32>, vector<1984x64xf32> -> vector<2048x64xf32>
    %add3A_78 = arith.addf %add3A_73, %concatenate3A_77 : vector<2048x64xf32>
    %broadcast_in_dim3A_79 = arith.constant 0.000000e+00 : f32
    %broadcast_in_dim3A_80 = vector.broadcast %broadcast_in_dim3A_79 : f32 to vector<128x64xf32>
    %slice3A_81 = vector.extract_strided_slice %add3A_78 {offsets = [0, 0], sizes = [1920, 64], strides = [1, 1]} : vector<2048x64xf32> to vector<1920x64xf32>
    %concatenate3A_82 = tpu.concatenate %broadcast_in_dim3A_80, %slice3A_81 in 0 : vector<128x64xf32>, vector<1920x64xf32> -> vector<2048x64xf32>
    %add3A_83 = arith.addf %add3A_78, %concatenate3A_82 : vector<2048x64xf32>
    %broadcast_in_dim3A_84 = arith.constant 0.000000e+00 : f32
    %broadcast_in_dim3A_85 = vector.broadcast %broadcast_in_dim3A_84 : f32 to vector<256x64xf32>
    %slice3A_86 = vector.extract_strided_slice %add3A_83 {offsets = [0, 0], sizes = [1792, 64], strides = [1, 1]} : vector<2048x64xf32> to vector<1792x64xf32>
    %concatenate3A_87 = tpu.concatenate %broadcast_in_dim3A_85, %slice3A_86 in 0 : vector<256x64xf32>, vector<1792x64xf32> -> vector<2048x64xf32>
    %add3A_88 = arith.addf %add3A_83, %concatenate3A_87 : vector<2048x64xf32>
    %broadcast_in_dim3A_89 = arith.constant 0.000000e+00 : f32
    %broadcast_in_dim3A_90 = vector.broadcast %broadcast_in_dim3A_89 : f32 to vector<512x64xf32>
    %slice3A_91 = vector.extract_strided_slice %add3A_88 {offsets = [0, 0], sizes = [1536, 64], strides = [1, 1]} : vector<2048x64xf32> to vector<1536x64xf32>
    %concatenate3A_92 = tpu.concatenate %broadcast_in_dim3A_90, %slice3A_91 in 0 : vector<512x64xf32>, vector<1536x64xf32> -> vector<2048x64xf32>
    %add3A_93 = arith.addf %add3A_88, %concatenate3A_92 : vector<2048x64xf32>
    %broadcast_in_dim3A_94 = arith.constant 0.000000e+00 : f32
    %broadcast_in_dim3A_95 = vector.broadcast %broadcast_in_dim3A_94 : f32 to vector<1024x64xf32>
    %slice3A_96 = vector.extract_strided_slice %add3A_93 {offsets = [0, 0], sizes = [1024, 64], strides = [1, 1]} : vector<2048x64xf32> to vector<1024x64xf32>
    %concatenate3A_97 = tpu.concatenate %broadcast_in_dim3A_95, %slice3A_96 in 0 : vector<1024x64xf32>, vector<1024x64xf32> -> vector<2048x64xf32>
    %add3A_98 = arith.addf %add3A_93, %concatenate3A_97 : vector<2048x64xf32>
    %sub3A_99 = arith.subf %add3A_98, %add3A_45 : vector<2048x64xf32>
    %mul3A = arith.mulf %convert_element_type3A_40, %sub3A_99 : vector<2048x64xf32>
    %reduce_sum3A_100 = arith.constant dense<0.000000e+00> : vector<2048xf32>
    %reduce_sum3A_101 = vector.multi_reduction <add>, %mul3A, %reduce_sum3A_100 [1] : vector<2048x64xf32> to vector<2048xf32>
    %broadcast_in_dim3A_102 = vector.shape_cast %reduce_sum3A_101 : vector<2048xf32> to vector<2048x1xf32>
    %convert_element_type3A_103 = arith.fptosi %broadcast_in_dim3A_102 : vector<2048x1xf32> to vector<2048x1xi32>
    %mul3A_104 = arith.mulf %convert_element_type3A_44, %sub3A_99 : vector<2048x64xf32>
    %reduce_sum3A_105 = arith.constant dense<0.000000e+00> : vector<2048xf32>
    %reduce_sum3A_106 = vector.multi_reduction <add>, %mul3A_104, %reduce_sum3A_105 [1] : vector<2048x64xf32> to vector<2048xf32>
    %broadcast_in_dim3A_107 = vector.shape_cast %reduce_sum3A_106 : vector<2048xf32> to vector<2048x1xf32>
    %convert_element_type3A_108 = arith.fptosi %broadcast_in_dim3A_107 : vector<2048x1xf32> to vector<2048x1xi32>
    %lt3A = arith.constant 64 : i32
    %lt3A_109 = vector.broadcast %lt3A : i32 to vector<2048x1xi32>
    %lt3A_110 = arith.cmpi slt, %convert_element_type3A_103, %lt3A_109 : vector<2048x1xi32>
    %lt3A_111 = arith.constant 64 : i32
    %lt3A_112 = vector.broadcast %lt3A_111 : i32 to vector<2048x1xi32>
    %lt3A_113 = arith.cmpi slt, %convert_element_type3A_108, %lt3A_112 : vector<2048x1xi32>
    %mul3A_114 = arith.constant 64 : i32
    %mul3A_115 = vector.broadcast %mul3A_114 : i32 to vector<2048x1xi32>
    %mul3A_116 = arith.muli %broadcast_in_dim3A_19, %mul3A_115 : vector<2048x1xi32>
    %min3A = arith.constant 63 : i32
    %min3A_117 = vector.broadcast %min3A : i32 to vector<2048x1xi32>
    %min3A_118 = arith.minsi %convert_element_type3A_103, %min3A_117 : vector<2048x1xi32>
    %add3A_119 = arith.addi %mul3A_116, %min3A_118 : vector<2048x1xi32>
    %mul3A_120 = arith.constant 64 : i32
    %mul3A_121 = vector.broadcast %mul3A_120 : i32 to vector<2048x1xi32>
    %mul3A_122 = arith.muli %broadcast_in_dim3A_35, %mul3A_121 : vector<2048x1xi32>
    %min3A_123 = arith.constant 63 : i32
    %min3A_124 = vector.broadcast %min3A_123 : i32 to vector<2048x1xi32>
    %min3A_125 = arith.minsi %convert_element_type3A_108, %min3A_124 : vector<2048x1xi32>
    %add3A_126 = arith.addi %mul3A_122, %min3A_125 : vector<2048x1xi32>
    %iota3A_127 = tpu.iota {dimensions = array<i32: 0>} : vector<2048x1xi32>
    %and3A = arith.constant 15 : i32
    %and3A_128 = vector.broadcast %and3A : i32 to vector<2048x1xi32>
    %and3A_129 = arith.andi %iota3A_127, %and3A_128 : vector<2048x1xi32>
    %add3A_130 = arith.constant 4096 : i32
    %add3A_131 = vector.broadcast %add3A_130 : i32 to vector<2048x1xi32>
    %add3A_132 = arith.addi %add3A_131, %and3A_129 : vector<2048x1xi32>
    %and3A_133 = arith.constant 15 : i32
    %and3A_134 = vector.broadcast %and3A_133 : i32 to vector<2048x1xi32>
    %and3A_135 = arith.andi %iota3A_127, %and3A_134 : vector<2048x1xi32>
    %add3A_136 = arith.constant 4112 : i32
    %add3A_137 = vector.broadcast %add3A_136 : i32 to vector<2048x1xi32>
    %add3A_138 = arith.addi %add3A_137, %and3A_135 : vector<2048x1xi32>
    %iota3A_139 = tpu.iota {dimensions = array<i32: 1>} : vector<2048x128xi32>
    %eq3A_140 = arith.constant 0 : i32
    %eq3A_141 = vector.broadcast %eq3A_140 : i32 to vector<2048x128xi32>
    %eq3A_142 = arith.cmpi eq, %iota3A_139, %eq3A_141 : vector<2048x128xi32>
    %select_n3A_143 = arith.select %lt3A_110, %add3A_119, %add3A_132 : vector<2048x1xi1>, vector<2048x1xi32>
    %eq3A_144 = arith.constant 1 : i32
    %eq3A_145 = vector.broadcast %eq3A_144 : i32 to vector<2048x128xi32>
    %eq3A_146 = arith.cmpi eq, %iota3A_139, %eq3A_145 : vector<2048x128xi32>
    %select_n3A_147 = arith.select %lt3A_113, %add3A_126, %add3A_138 : vector<2048x1xi1>, vector<2048x1xi32>
    %eq3A_148 = arith.constant 2 : i32
    %eq3A_149 = vector.broadcast %eq3A_148 : i32 to vector<2048x128xi32>
    %eq3A_150 = arith.cmpi eq, %iota3A_139, %eq3A_149 : vector<2048x128xi32>
    %eq3A_151 = arith.constant 3 : i32
    %eq3A_152 = vector.broadcast %eq3A_151 : i32 to vector<2048x128xi32>
    %eq3A_153 = arith.cmpi eq, %iota3A_139, %eq3A_152 : vector<2048x128xi32>
    %jit3A_154 = arith.constant 0 : i32
    %broadcast_in_dim3A_155 = vector.shape_cast %add3A_126 : vector<2048x1xi32> to vector<2048x1xi32>
    %broadcast_in_dim3A_156 = vector.broadcast %broadcast_in_dim3A_155 : vector<2048x1xi32> to vector<2048x128xi32>
    %broadcast_in_dim3A_157 = vector.broadcast %jit3A_154 : i32 to vector<2048x128xi32>
    %select_n3A_158 = arith.select %eq3A_153, %broadcast_in_dim3A_156, %broadcast_in_dim3A_157 : vector<2048x128xi1>, vector<2048x128xi32>
    %broadcast_in_dim3A_159 = vector.shape_cast %add3A_119 : vector<2048x1xi32> to vector<2048x1xi32>
    %broadcast_in_dim3A_160 = vector.broadcast %broadcast_in_dim3A_159 : vector<2048x1xi32> to vector<2048x128xi32>
    %select_n3A_161 = arith.select %eq3A_150, %broadcast_in_dim3A_160, %select_n3A_158 : vector<2048x128xi1>, vector<2048x128xi32>
    %broadcast_in_dim3A_162 = vector.shape_cast %select_n3A_147 : vector<2048x1xi32> to vector<2048x1xi32>
    %broadcast_in_dim3A_163 = vector.broadcast %broadcast_in_dim3A_162 : vector<2048x1xi32> to vector<2048x128xi32>
    %select_n3A_164 = arith.select %eq3A_146, %broadcast_in_dim3A_163, %select_n3A_161 : vector<2048x128xi1>, vector<2048x128xi32>
    %broadcast_in_dim3A_165 = vector.shape_cast %select_n3A_143 : vector<2048x1xi32> to vector<2048x1xi32>
    %broadcast_in_dim3A_166 = vector.broadcast %broadcast_in_dim3A_165 : vector<2048x1xi32> to vector<2048x128xi32>
    %select_n3A_167 = arith.select %eq3A_142, %broadcast_in_dim3A_166, %select_n3A_164 : vector<2048x128xi1>, vector<2048x128xi32>
    %swap3A_168 = arith.constant 0 : index
    %swap3A_169 = arith.constant 0 : index
    %swap3A_170 = vector.load %arg3[%swap3A_168, %swap3A_169] : memref<2048x128xi32, #tpu.memory_space<vmem>>, vector<2048x128xi32>
    tpu.vector_store %arg3[%swap3A_168, %swap3A_169], %select_n3A_167 {strides = array<i32>} : memref<2048x128xi32, #tpu.memory_space<vmem>>, vector<2048x128xi32>,
    %jit3A_171 = arith.constant 0.000000e+00 : f32
    %broadcast_in_dim3A_172 = vector.broadcast %jit3A_171 : f32 to vector<2048x1xf32>
    %select_n3A_173 = arith.select %lt3A_110, %div3A_36, %broadcast_in_dim3A_172 : vector<2048x1xi1>, vector<2048x1xf32>
    %jit3A_174 = arith.constant 0.000000e+00 : f32
    %broadcast_in_dim3A_175 = vector.broadcast %jit3A_174 : f32 to vector<2048x1xf32>
    %select_n3A_176 = arith.select %lt3A_113, %div3A_37, %broadcast_in_dim3A_175 : vector<2048x1xi1>, vector<2048x1xf32>
    %concatenate3A_177 = tpu.concatenate %select_n3A_173, %select_n3A_176 in 1 : vector<2048x1xf32>, vector<2048x1xf32> -> vector<2048x2xf32>
    %swap3A_178 = arith.constant 0 : index
    %swap3A_179 = arith.constant 0 : index
    %swap3A_180 = vector.load %arg4[%swap3A_178, %swap3A_179] : memref<2048x2xf32, #tpu.memory_space<vmem>>, vector<2048x2xf32>
    tpu.vector_store %arg4[%swap3A_178, %swap3A_179], %concatenate3A_177 {strides = array<i32>} : memref<2048x2xf32, #tpu.memory_space<vmem>>, vector<2048x2xf32>,
    return
  }
}

module attributes {stable_mosaic.version = 14 : i64} {
  func.func @_combine_body(%arg0: i32, %arg1: memref<256x1536xf32, #tpu.memory_space<vmem>>, %arg2: memref<256x2xf32, #tpu.memory_space<vmem>>, %arg3: memref<256x768xf32, #tpu.memory_space<vmem>>) attributes {dimension_semantics = [#tpu.dimension_semantics<arbitrary>], iteration_bounds = array<i64: 8>, scalar_prefetch = 0 : i64, scratch_operands = 0 : i64, tpu.core_type = #tpu.core_type<tc>, window_params = [{transform_indices = @transform_0, window_bounds = array<i64: 256, 1536>}, {transform_indices = @transform_1, window_bounds = array<i64: 256, 2>}, {transform_indices = @transform_2, window_bounds = array<i64: 256, 768>}]} {
    %get3A = arith.constant 0 : index
    %get3A_0 = arith.constant 0 : index
    %get3A_1 = vector.load %arg2[%get3A, %get3A_0] : memref<256x2xf32, #tpu.memory_space<vmem>>, vector<256x2xf32>
    %get3A_2 = arith.constant 0 : index
    %get3A_3 = arith.constant 0 : index
    %get3A_4 = vector.load %arg1[%get3A_2, %get3A_3] : memref<256x1536xf32, #tpu.memory_space<vmem>>, vector<256x768xf32>
    %slice3A = vector.extract_strided_slice %get3A_1 {offsets = [0, 0], sizes = [256, 1], strides = [1, 1]} : vector<256x2xf32> to vector<256x1xf32>
    %mul3A = vector.broadcast %slice3A : vector<256x1xf32> to vector<256x768xf32>
    %mul3A_5 = arith.mulf %get3A_4, %mul3A : vector<256x768xf32>
    %get3A_6 = arith.constant 0 : index
    %get3A_7 = arith.constant 768 : index
    %get3A_8 = vector.load %arg1[%get3A_6, %get3A_7] : memref<256x1536xf32, #tpu.memory_space<vmem>>, vector<256x768xf32>
    %slice3A_9 = vector.extract_strided_slice %get3A_1 {offsets = [0, 1], sizes = [256, 1], strides = [1, 1]} : vector<256x2xf32> to vector<256x1xf32>
    %mul3A_10 = vector.broadcast %slice3A_9 : vector<256x1xf32> to vector<256x768xf32>
    %mul3A_11 = arith.mulf %get3A_8, %mul3A_10 : vector<256x768xf32>
    %add3A = arith.addf %mul3A_5, %mul3A_11 : vector<256x768xf32>
    %swap3A = arith.constant 0 : index
    %swap3A_12 = arith.constant 0 : index
    %swap3A_13 = vector.load %arg3[%swap3A, %swap3A_12] : memref<256x768xf32, #tpu.memory_space<vmem>>, vector<256x768xf32>
    tpu.vector_store %arg3[%swap3A, %swap3A_12], %add3A {strides = array<i32>} : memref<256x768xf32, #tpu.memory_space<vmem>>, vector<256x768xf32>,
    return
  }
  func.func @transform_0(%arg0: i32) -> (i32, i32) {
    %c0_i32 = arith.constant 0 : i32
    %c0_i32_0 = arith.constant 0 : i32
    return %arg0, %c0_i32 : i32, i32
  }
  func.func @transform_1(%arg0: i32) -> (i32, i32) {
    %c0_i32 = arith.constant 0 : i32
    %c0_i32_0 = arith.constant 0 : i32
    return %arg0, %c0_i32 : i32, i32
  }
  func.func @transform_2(%arg0: i32) -> (i32, i32) {
    %c0_i32 = arith.constant 0 : i32
    %c0_i32_0 = arith.constant 0 : i32
    return %arg0, %c0_i32 : i32, i32
  }
}

</mosaic_0001>

<sc_bundles>
// kernel: kernel.10.cloned.1.call-start
scs
__scs_entry_jumppad:
0x0: {  	(pc) =	sbr.rel $0x88, $3  }
0x1: {  	(tag) =	ssettag $0x0;
	lr =	simm.s32 $0x1  }
0x2: {  	[smem:$0x3F9C] =	sst lr;
	_ =	strace $0xD0000000  }
0x3: {  	_ = 	snop  }
0x4: {  	_ = 	snop  }
0x5: {  	_ = 	snop  }
0x6: {  	_ = 	snop  }
0x7: {  	_ = 	snop  }
__scs_overlays_trampoline_lowered:
0x8: {  	[smem:$0x3FAB] =	sst s0  }
0x9: {  	[smem:$0x3FAC] =	sst s1  }
0xa: {  	[smem:$0x3FAD] =	sst s2  }
0xb: {  	[smem:$0x3FAE] =	sst s3  }
0xc: {  	[smem:$0x3FAF] =	sst s4  }
0xd: {  	[smem:$0x3FB0] =	sst s5  }
0xe: {  	[smem:$0x3FB1] =	sst s6  }
0xf: {  	[smem:$0x3FB2] =	sst s7  }
0x10: {  	[smem:$0x3FB3] =	sst s8  }
0x11: {  	[smem:$0x3FB4] =	sst s9;
	s0 =	simm.s32 @!p0 $0x0  }
0x12: {  	s1 =	sld [smem:$0x3F9A];
	s0 =	simm.s32 @p0 $0x1  }
0x13: {  	[smem:$0x3FB5] =	sst s0;
	s0 =	simm.s32 @!p1 $0x0  }
0x14: {  	s2 =	sld [smem:$0x3F99];
	s0 =	simm.s32 @p1 $0x1  }
0x15: {  	[smem:$0x3FB6] =	sst s0;
	s0 =	simm.s32 @!p2 $0x0  }
0x16: {  	s3 =	sld [smem:$0x3FDB];
	s0 =	simm.s32 @p2 $0x1  }
0x17: {  	s4 =	simm.s32 $0x1BF5;
	[smem:$0x3FB8] =	sst s0  }
0x18: {  	s0 =	sld [smem:$0x3F9B];
	_ =	swait.ge [sflag:s4], $0x0  }
0x19: {  	s7 =	sld [smem:$0x3F9C]  }
0x1a: {  	s8 =	sadd.s32 $0xFFFFE003, lr  }
0x1b: {  	s9 =	sadd.s32 $0xFFFFFEF7, lr;
	s5 =	simm.s32 $0xFFFFFFFF;
	p2 =	slt.u32 s8, $0xFFFFF086  }
0x1c: {  	p1 =	slt.u32 s9, $0xF7A;
	s5 =	simm.s32 @!p2 $0x0  }
0x1d: {  	s5 =	simm.s32 @p1 $0x1;
	p0 =	seq.s32 s7, s2  }
0x1e: {  	s7 =	smul.u32 @!p0 $0xF7A, s2;
	p2 =	seq.s32 @!p0 s5, $0x0  }
0x1f: {  	s9 =	smul.u32 $0xF7A, s1;
	s8 =	simm.s32 @!p0 $0x1BF5;
	p2 =	por !p2, p0  }
0x20: {  	[sflag:s8] =	ssyncset.s32 @!p0 $0xFFFFF086;
	s6 =	sadd.s32 @!p0 s3, s7;
	s7 =	simm.s32 @!p0 $0x108  }
0x21: {  	s3 =	sadd.s32 s3, s9;
	s6 =	sadd.s32 @!p0 $0x88, s6;
	s7 =	simm.s32 @p2 $0x1082  }
0x22: {  	[simem:s7], [sflag:s8] =	dma.local @!p0 [hbm:s6], $0xF7A  }
0x23: {  	s9 =	sor.u32 $0xD0000000, s2;
	s6 =	simm.s32 $0x108;
	_ =	swait.ge @!p0 [sflag:s8], $0x0  }
0x24: {  	s3 =	sadd.s32 $0x88, s3;
	s6 =	simm.s32 @!p1 $0x1082;
	[sflag:s4] =	ssyncset.s32 $0xFFFFF086  }
0x25: {  	[simem:s6], [sflag:s4] =	dma.local [hbm:s3], $0xF7A  }
0x26: {  	[smem:$0x3F9C] =	sst s1;
	(tag) =	ssettag s2;
	_ =	strace s9  }
0x27: {  	s1 =	sld [smem:$0x3FAC]  }
0x28: {  	s2 =	sld [smem:$0x3FAD]  }
0x29: {  	s4 =	sld [smem:$0x3FAF]  }
0x2a: {  	p0 =	seq.s32 s5, $0x0;
	s5 =	sld [smem:$0x3FB0]  }
0x2b: {  	s6 =	sld [smem:$0x3FB1]  }
0x2c: {  	s7 =	sld [smem:$0x3FB2]  }
0x2d: {  	s3 =	simm.s32 $0x108;
	s8 =	sld [smem:$0x3FB3]  }
0x2e: {  	s3 =	simm.s32 @!p0 $0x1082;
	s9 =	sld [smem:$0x3FB4]  }
0x2f: {  	lr =	sadd.s32 s0, s3;
	s0 =	sld [smem:$0x3FAB]  }
0x30: {  	s3 =	sld [smem:$0x3FAE]  }
0x31: {  	[smem:$0x3FB7] =	sst s10  }
0x32: {  	s10 =	sld [smem:$0x3FB5];
	_ =	sdelay $0x3  }
0x33: {  	p0 =	seq.s32 s10, $0x1;
	s10 =	sld [smem:$0x3FB7];
	_ =	sdelay $0x3  }
0x34: {  	[smem:$0x3FB7] =	sst s10  }
0x35: {  	s10 =	sld [smem:$0x3FB6];
	_ =	sdelay $0x3  }
0x36: {  	p1 =	seq.s32 s10, $0x1;
	s10 =	sld [smem:$0x3FB7];
	_ =	sdelay $0x3  }
0x37: {  	[smem:$0x3FB7] =	sst s10  }
0x38: {  	s10 =	sld [smem:$0x3FB8]  }
0x39: {  	_ = 	snop;
	(pc) =	sbr.ind lr, $3  }
0x3a: {  	_ = 	snop  }
0x3b: {  	_ = 	snop  }
0x3c: {  	p2 =	seq.s32 s10, $0x1;
	s10 =	sld [smem:$0x3FB7]  }
0x3d: {  	_ =	shalt  }
0x3e: {  	_ =	shalt  }
0x3f: {  	_ =	shalt  }
0x40: {  	_ =	shalt  }
0x41: {  	_ =	shalt  }
0x42: {  	_ =	shalt  }
0x43: {  	_ =	shalt  }
0x44: {  	_ =	shalt  }
0x45: {  	_ =	shalt  }
0x46: {  	_ =	shalt  }
0x47: {  	_ =	shalt  }
0x48: {  	_ =	shalt  }
0x49: {  	_ =	shalt  }
0x4a: {  	_ =	shalt  }
0x4b: {  	_ =	shalt  }
0x4c: {  	_ =	shalt  }
0x4d: {  	_ =	shalt  }
0x4e: {  	_ =	shalt  }
0x4f: {  	_ =	shalt  }
0x50: {  	_ =	shalt  }
0x51: {  	_ =	shalt  }
0x52: {  	_ =	shalt  }
0x53: {  	_ =	shalt  }
0x54: {  	_ =	shalt  }
0x55: {  	_ =	shalt  }
0x56: {  	_ =	shalt  }
0x57: {  	_ =	shalt  }
0x58: {  	_ =	shalt  }
0x59: {  	_ =	shalt  }
0x5a: {  	_ =	shalt  }
0x5b: {  	_ =	shalt  }
0x5c: {  	_ =	shalt  }
0x5d: {  	_ =	shalt  }
0x5e: {  	_ =	shalt  }
0x5f: {  	_ =	shalt  }
0x60: {  	_ =	shalt  }
0x61: {  	_ =	shalt  }
0x62: {  	_ =	shalt  }
0x63: {  	_ =	shalt  }
0x64: {  	_ =	shalt  }
0x65: {  	_ =	shalt  }
0x66: {  	_ =	shalt  }
0x67: {  	_ =	shalt  }
0x68: {  	_ =	shalt  }
0x69: {  	_ =	shalt  }
0x6a: {  	_ =	shalt  }
0x6b: {  	_ =	shalt  }
0x6c: {  	_ =	shalt  }
0x6d: {  	_ =	shalt  }
0x6e: {  	_ =	shalt  }
0x6f: {  	_ =	shalt  }
0x70: {  	_ =	shalt  }
0x71: {  	_ =	shalt  }
0x72: {  	_ =	shalt  }
0x73: {  	_ =	shalt  }
0x74: {  	_ =	shalt  }
0x75: {  	_ =	shalt  }
0x76: {  	_ =	shalt  }
0x77: {  	_ =	shalt  }
0x78: {  	_ =	shalt  }
0x79: {  	_ =	shalt  }
0x7a: {  	_ =	shalt  }
0x7b: {  	_ =	shalt  }
0x7c: {  	_ =	shalt  }
0x7d: {  	_ =	shalt  }
0x7e: {  	_ =	shalt  }
0x7f: {  	_ =	shalt  }
0x80: {  	_ =	shalt  }
0x81: {  	_ =	shalt  }
0x82: {  	_ =	shalt  }
0x83: {  	_ =	shalt  }
0x84: {  	_ =	shalt  }
0x85: {  	_ =	shalt  }
0x86: {  	_ =	shalt  }
0x87: {  	_ =	shalt  }
.Lfunc_end0:
.L_simem_size_0:
called_computation.1_lowered:
.L_overlay_start_0:
0x88: {  	s2 =	sld [smem:$0x3FD9]  }
0x89: {  	s3 =	sld [smem:$0x3FFE];
	_ =	sdelay $0x1  }
0x8a: {  	s1 =	srdreg.scid  }
0x8b: {  	s0 =	sand.u32 $0x1, s1  }
0x8c: {  	s16 =	sshll.u32 s0, $0xA;
	s2 =	sadd.s32 s3, s2  }
0x8d: {  	s2 =	sadd.s32 s2, s16  }
0x8e: {  	[smem:$0x3FC3] =	sst s2  }
0x8f: {  	_ = 	snop  }
0x90: {  	(tm) =	ssettm $0x1  }
0x91: {  	s17 =	sld [smem:$0x3FFB];
	_ =	sdelay $0x3  }
0x92: {  	_ =	strace s17  }
0x93: {  	s2 =	sld [smem:$0x3FFC];
	_ =	sdelay $0x3  }
0x94: {  	_ =	strace s2  }
0x95: {  	s2 =	sld [smem:$0x3FFD];
	_ =	sdelay $0x3  }
0x96: {  	_ =	strace s2  }
0x97: {  	_ =	strace $0x8FFFFFFF  }
0x98: {  	s18 =	sld [smem:$0x3FDB];
	_ =	sdelay $0x1  }
0x99: {  	s19 =	simm.s32 $_scs_section_size  }
0x9a: {  	s4 =	simm.s32 $_size__tile_overlayer_lowered;
	s5 =	simm.s32 $_tile_overlayer_lowered  }
0x9b: {  	s22 =	simm.s32 $0x1BFF;
	s21 =	sshll.u32 s5, $0x1;
	s2 =	sadd.s32 s19, s18  }
0x9c: {  	s6 =	simm.s32 $0x0;
	s20 =	sshll.u32 s4, $0x1;
	s4 =	sadd.s32 s21, s2  }
0x9d: {  	[timem:s6], [sflag:s22] =	dma.local [hbm:s4], s20  }
0x9e: {  	_ =	swait.ge [sflag:s22], s20  }
0x9f: {  	s3 =	ssub.s32 $0x0, s20;
	[sflag:s22] =	ssyncset.done $0x0  }
0xa0: {  	[sflag:s22] =	ssyncadd.s32 s3;
	_ =	sdelay $0x1  }
0xa1: {  	s23 =	simm.s32 $0x1B8B  }
0xa2: {  	_ =	swait.ge [sflag:s23], $0x1  }
0xa3: {  	[sflag:s23] =	ssyncset.done $0x0  }
0xa4: {  	s25 =	simm.s32 $0x1B8E;
	s24 =	sld [smem:$0x3FFE];
	[sflag:s23] =	ssyncadd.s32 $0xFFFFFFFF  }
0xa5: {  	s26 =	simm.s32 $execute0_lowered;
	[smem:$0x3FD2] =	sst s25  }
0xa6: {  	s4 =	sshll.u32 s26, $0x1;
	_ =	strace $0x80000049;
	[dreg:$0x1] =	wrdreg $0xFFFFFFFF  }
0xa7: {  	s28 =	simm.s32 $_size_execute0_lowered;
	s2 =	sadd.s32 s2, s4;
	[dreg:$0x0] =	wrdreg $0x0  }
0xa8: {  	s4 =	sshll.u32 s28, $0x1;
	[dreg:$0x2] =	wrdreg s2  }
0xa9: {  	[dreg:$0x3] =	wrdreg s4  }
0xaa: {  	[dreg:$0x4] =	wrdreg $0xC0  }
0xab: {  	_ =	task [dreg:s6], $0x5FFFF  }
0xac: {  	[dreg:$0x1] =	wrdreg $0xFFFFFFFF  }
0xad: {  	[dreg:$0x0] =	wrdreg $0x60  }
0xae: {  	[dreg:$0x2] =	wrdreg s24  }
0xaf: {  	[dreg:$0x3] =	wrdreg $0x9  }
0xb0: {  	_ =	task.clear_ibuf [dreg:s6], $0x4FFFF;
	_ =	strace $0x90000049  }
0xb1: {  	s29 =	simm.s32 $0x9;
	_ =	strace $0x8000004B  }
0xb2: {  	_ =	swait.ge [sflag:s29], $0x1  }
0xb3: {  	[sflag:s29] =	ssyncadd.s32 $0xFFFFFFFF  }
0xb4: {  	_ =	strace $0x9000004B  }
0xb5: {  	_ =	sfence  }
0xb6: {  	s30 =	sld [smem:$0x0];
	_ =	sdelay $0x2  }
0xb7: {  	s31 =	sshll.u32 s1, $0xD;
	s1 =	sshrl.u32 s1, $0x2  }
0xb8: {  	s3 =	sand.u32 $0x4000, s31;
	s1 =	sadd.s32 s1, s30  }
0xb9: {  	s0 =	sor.u32 s3, s0;
	s1 =	sshll.u32 s1, $0x11  }
0xba: {  	s0 =	sor.u32 s1, s0  }
0xbb: {  	s0 =	sadd.s32 $0x8F2B, s0  }
0xbc: {  	[sflag:s0] =	ssyncadd.remote.s32 $0x1  }
0xbd: {  	_ =	sfence.sel $0xFFFF  }
0xbe: {  	[dreg:$0x0] =	wrdreg $0xFFFFFFFF;
	(pc) =	sbr.abs _section_cstart, $3  }
0xbf: {  	[dreg:$0x1] =	wrdreg $0xFFFFFFFF  }
0xc0: {  	_ =	task.clear_ibuf [dreg:s6], $0x2FFFF;
	_ =	strace $0x9FFFFFFF  }
0xc1: {  	(tm) =	ssettm $0x7FFFFFFF  }
tec
execute0_lowered:
.L_overlay_start_1:
0x0: {  	(tag) =	ssettag $0x1  }
0x1: {  	s0 =	rddreg [dreg:$0x0];
	s1 =	srdreg.scid  }
0x2: {  	s3 =	stileid.u32;
	s2 =	simm.s32 $0x0;
	s9 =	simm.s32 $0x2  }
0x3: {  	s10 =	simm.s32 $0x2080;
	s18 =	simm.s32 $0x11080;
	s19 =	simm.s32 $0x11880  }
0x4: {  	s20 =	simm.s32 $0x12080;
	s21 =	simm.s32 $0x12880;
	s22 =	simm.s32 $0x13080  }
0x5: {  	s23 =	simm.s32 $0x13880;
	s24 =	simm.s32 $0x14080;
	s25 =	simm.s32 $0x14880  }
0x6: {  	s28 =	simm.s32 $0x15880;
	s29 =	simm.s32 $0x16080;
	s30 =	simm.s32 $0x16880  }
0x7: {  	s31 =	simm.s32 $0x17080;
	s11 =	simm.s32 $0x18880;
	s12 =	simm.s32 $0x19080  }
0x8: {  	s13 =	simm.s32 $0x19880;
	s14 =	simm.s32 $0x1;
	s15 =	simm.s32 $0x0  }
0x9: {  	s1 =	sand.u32 $0x1, s1;
	s3 =	sshll.u32 s3, $0x1;
	[smem:$0x7FF] =	sst s2  }
0xa: {  	s6 =	sadd.s32 $0x19A00, s0;
	s4 =	sor.u32 s1, s3;
	_ =	strace $0x8000004A  }
0xb: {  	s1 =	ssub.s32 $0x2, s1;
	s5 =	smul.u32 $0x3000, s4;
	s4 =	sshll.u32 s4, $0xA  }
0xc: {  	v4 =	vlaneseq.u32;
	s3 =	sadd.s32 $0x19800, s0;
	s26 =	sshrl.u32 s1, $0x1;
	s4 =	sadd.s32 s4, s0  }
0xd: {  	vm0 =	vmmov $0xffff;
	v0 =	vmul.u32 $0x40, v4;
	s1 =	ssub.s32 s1, s26;
	s26 =	simm.s32 $0x15080;
	s7 =	sadd.s32 s5, s0  }
0xe: {  	v1 =	vand.u32 $0x1, v4;
	v2 =	vand.u32 $0x7, v4;
	v3 =	vshrl.u32 v4, $0x3;
	s4 =	sadd.s32 $0x1800, s4;
	s5 =	sadd.s32 $0x19900, s0;
	s8 =	smax.u32 s1, $0x1  }
0xf: {  	v4 =	vor.u32 $0x8, v4;
	v1 =	vor.u32 $0x2, v1;
	v3 =	vmul.u32 $0x8, v3;
	s0 =	simm.s32 $0x17880;
	s1 =	simm.s32 $0x18080;
	s7 =	sadd.s32 $0x79800, s7  }
.LBB2_1:
0x10: {  	v5 =	vmov s2  }
0x11: {  	v5 =	vshll.u32 v5, $0x6  }
0x12: {  	v5 =	vor.u32 v0, v5  }
0x13: {  	v5 =	vand.u32 $0x1F80, v5  }
0x14: {  	s16 =	simm.s32 $0x10;
	v5 =	vor.u32 v1, v5  }
0x15: {  	[tilespmem:s2], [sflag:$0x2] =	stream.linear.gather [hbm4b:s4+s2], $0x2000, $0x38;
	[tilespmem:$0x1A080] =	vst v63  }
0x16: {  	v6 =	vmov s16;
	_ =	swait.ge [sflag:s9], $0x2000  }
0x17: {  	v6 =	vshll.u32 v6, $0x6;
	[sflag:s9] =	ssyncset.done $0x0  }
0x18: {  	v6 =	vor.u32 v0, v6;
	[sflag:s9] =	ssyncadd.s32 $0xFFFFE000  }
0x19: {  	v6 =	vand.u32 $0x1F80, v6;
	v5 =	vld.idx.msk [tilespmem:v5+s2+$0x0], $0xffff  }
0x1a: {  	v6 =	vor.u32 v1, v6;
	_ =	sdelay $0x1  }
0x1b: {  	s17 =	simm.s32 $0x20  }
0x1c: {  	s16 =	simm.s32 $0x2000;
	v7 =	vmov s17;
	s17 =	simm.s32 $0x30  }
.LBB2_2:
0x1d: {  	p0 =	sne.s32 s17, $0x70;
	v7 =	vshll.u32 v7, $0x6;
	[tilespmem:s16+$0x0] =	vst v5  }
0x1e: {  	v7 =	vor.u32 v0, v7;
	v5 =	vld.idx.msk [tilespmem:v6+s2+$0x0], $0xffff  }
.Ltmp0:
0x1f: {  	v6 =	vand.u32 $0x1F80, v7;
	(pc) =	sbr.rel @p0 .LBB2_2-.Ltmp0, $2  }
0x20: {  	v6 =	vor.u32 v1, v6;
	_ =	sdelay $0x2  }
0x21: {  	s16 =	sadd.s32 $0x10, s16;
	v7 =	vmov s17;
	s17 =	sadd.s32 $0x10, s17  }
0x22: {  	_ =	sdelay $0x1  }
0x23: {  	v7 =	vshll.u32 v7, $0x6  }
0x24: {  	[tilespmem:s16+$0x0] =	vst v5;
	v5 =	vor.u32 v0, v7  }
0x25: {  	v6 =	vld.idx.msk [tilespmem:v6+s2+$0x0], $0xffff;
	v5 =	vand.u32 $0x1F80, v5  }
0x26: {  	v5 =	vor.u32 v1, v5;
	_ =	sdelay $0x2  }
0x27: {  	s17 =	sadd.s32 $0x10, s16  }
0x28: {  	[tilespmem:s17+$0x0] =	vst v6  }
0x29: {  	v5 =	vld.idx.msk [tilespmem:v5+s2+$0x0], $0xffff;
	_ =	sdelay $0x3  }
0x2a: {  	s16 =	sadd.s32 $0x10, s17  }
0x2b: {  	[tilespmem:s16+$0x0] =	vst v5  }
0x2c: {  	v5 =	vld [tilespmem:$0x2000];
	_ =	sdelay $0x4  }
0x2d: {  	v6 =	vshrl.u32 v5, $0x3  }
0x2e: {  	v6 =	vmul.u32 $0x30, v6  }
0x2f: {  	v5 =	vand.u32 $0x7, v5  }
0x30: {  	v5 =	vor.u32 v5, v6  }
0x31: {  	v6 =	vperm.xlane v5, v2;
	_ =	sdelay $0x1  }
0x32: {  	v6 =	vadd.s32 v3, v6;
	_ =	sdelay $0x3  }
0x33: {  	v5 =	vperm.xlane v5, v4  }
0x34: {  	[tilespmem:s10], [sflag:$0x1] =	stream.indirect_vreg.gather [hbm4b:s3+s2], $0x80, v6, vm0, $0xb8;
	[tilespmem:$0x1A080] =	vst v63  }
0x35: {  	s17 =	simm.s32 $0x2880;
	v5 =	vadd.s32 v3, v5  }
0x36: {  	[tilespmem:s17], [sflag:$0x1] =	stream.indirect_vreg.gather [hbm4b:s5+s2], $0x80, v6, vm0, $0xb8;
	[tilespmem:$0x1A080] =	vst v63  }
0x37: {  	s17 =	simm.s32 $0x3080  }
0x38: {  	[tilespmem:s17], [sflag:$0x1] =	stream.indirect_vreg.gather [hbm4b:s6+s2], $0x80, v6, vm0, $0xb8;
	[tilespmem:$0x1A080] =	vst v63  }
0x39: {  	s17 =	simm.s32 $0x3880  }
0x3a: {  	[tilespmem:s17], [sflag:$0x1] =	stream.indirect_vreg.gather [hbm4b:s3+s2], $0x80, v5, vm0, $0xb8;
	[tilespmem:$0x1A080] =	vst v63  }
0x3b: {  	s17 =	simm.s32 $0x4080  }
0x3c: {  	[tilespmem:s17], [sflag:$0x1] =	stream.indirect_vreg.gather [hbm4b:s5+s2], $0x80, v5, vm0, $0xb8;
	[tilespmem:$0x1A080] =	vst v63  }
0x3d: {  	s17 =	simm.s32 $0x4880  }
0x3e: {  	[tilespmem:s17], [sflag:$0x1] =	stream.indirect_vreg.gather [hbm4b:s6+s2], $0x80, v5, vm0, $0xb8;
	[tilespmem:$0x1A080] =	vst v63  }
0x3f: {  	v5 =	vld [tilespmem:$0x2010];
	_ =	sdelay $0x4  }
0x40: {  	v6 =	vshrl.u32 v5, $0x3  }
0x41: {  	v6 =	vmul.u32 $0x30, v6  }
0x42: {  	v5 =	vand.u32 $0x7, v5  }
0x43: {  	v5 =	vor.u32 v5, v6  }
0x44: {  	v6 =	vperm.xlane v5, v2;
	_ =	sdelay $0x1  }
0x45: {  	v6 =	vadd.s32 v3, v6;
	_ =	sdelay $0x3  }
0x46: {  	s17 =	simm.s32 $0x5080;
	v5 =	vperm.xlane v5, v4  }
0x47: {  	[tilespmem:s17], [sflag:$0x1] =	stream.indirect_vreg.gather [hbm4b:s3+s2], $0x80, v6, vm0, $0xb8;
	[tilespmem:$0x1A080] =	vst v63  }
0x48: {  	v5 =	vadd.s32 v3, v5;
	s17 =	simm.s32 $0x5880  }
0x49: {  	[tilespmem:s17], [sflag:$0x1] =	stream.indirect_vreg.gather [hbm4b:s5+s2], $0x80, v6, vm0, $0xb8;
	[tilespmem:$0x1A080] =	vst v63  }
0x4a: {  	s17 =	simm.s32 $0x6080  }
0x4b: {  	[tilespmem:s17], [sflag:$0x1] =	stream.indirect_vreg.gather [hbm4b:s6+s2], $0x80, v6, vm0, $0xb8;
	[tilespmem:$0x1A080] =	vst v63  }
0x4c: {  	s17 =	simm.s32 $0x6880  }
0x4d: {  	[tilespmem:s17], [sflag:$0x1] =	stream.indirect_vreg.gather [hbm4b:s3+s2], $0x80, v5, vm0, $0xb8;
	[tilespmem:$0x1A080] =	vst v63  }
0x4e: {  	s17 =	simm.s32 $0x7080  }
0x4f: {  	[tilespmem:s17], [sflag:$0x1] =	stream.indirect_vreg.gather [hbm4b:s5+s2], $0x80, v5, vm0, $0xb8;
	[tilespmem:$0x1A080] =	vst v63  }
0x50: {  	s17 =	simm.s32 $0x7880  }
0x51: {  	[tilespmem:s17], [sflag:$0x1] =	stream.indirect_vreg.gather [hbm4b:s6+s2], $0x80, v5, vm0, $0xb8;
	[tilespmem:$0x1A080] =	vst v63  }
0x52: {  	v5 =	vld [tilespmem:$0x2020];
	_ =	sdelay $0x4  }
0x53: {  	v6 =	vshrl.u32 v5, $0x3  }
0x54: {  	v6 =	vmul.u32 $0x30, v6  }
0x55: {  	v5 =	vand.u32 $0x7, v5  }
0x56: {  	v5 =	vor.u32 v5, v6  }
0x57: {  	v6 =	vperm.xlane v5, v2;
	_ =	sdelay $0x1  }
0x58: {  	v6 =	vadd.s32 v3, v6;
	_ =	sdelay $0x3  }
0x59: {  	s17 =	simm.s32 $0x8080;
	v5 =	vperm.xlane v5, v4  }
0x5a: {  	[tilespmem:s17], [sflag:$0x1] =	stream.indirect_vreg.gather [hbm4b:s3+s2], $0x80, v6, vm0, $0xb8;
	[tilespmem:$0x1A080] =	vst v63  }
0x5b: {  	v5 =	vadd.s32 v3, v5;
	s17 =	simm.s32 $0x8880  }
0x5c: {  	[tilespmem:s17], [sflag:$0x1] =	stream.indirect_vreg.gather [hbm4b:s5+s2], $0x80, v6, vm0, $0xb8;
	[tilespmem:$0x1A080] =	vst v63  }
0x5d: {  	s17 =	simm.s32 $0x9080  }
0x5e: {  	[tilespmem:s17], [sflag:$0x1] =	stream.indirect_vreg.gather [hbm4b:s6+s2], $0x80, v6, vm0, $0xb8;
	[tilespmem:$0x1A080] =	vst v63  }
0x5f: {  	s17 =	simm.s32 $0x9880  }
0x60: {  	[tilespmem:s17], [sflag:$0x1] =	stream.indirect_vreg.gather [hbm4b:s3+s2], $0x80, v5, vm0, $0xb8;
	[tilespmem:$0x1A080] =	vst v63  }
0x61: {  	s17 =	simm.s32 $0xA080  }
0x62: {  	[tilespmem:s17], [sflag:$0x1] =	stream.indirect_vreg.gather [hbm4b:s5+s2], $0x80, v5, vm0, $0xb8;
	[tilespmem:$0x1A080] =	vst v63  }
0x63: {  	s17 =	simm.s32 $0xA880  }
0x64: {  	[tilespmem:s17], [sflag:$0x1] =	stream.indirect_vreg.gather [hbm4b:s6+s2], $0x80, v5, vm0, $0xb8;
	[tilespmem:$0x1A080] =	vst v63  }
0x65: {  	v5 =	vld [tilespmem:$0x2030];
	_ =	sdelay $0x4  }
0x66: {  	v6 =	vshrl.u32 v5, $0x3  }
0x67: {  	v6 =	vmul.u32 $0x30, v6  }
0x68: {  	v5 =	vand.u32 $0x7, v5  }
0x69: {  	v5 =	vor.u32 v5, v6  }
0x6a: {  	v6 =	vperm.xlane v5, v2;
	_ =	sdelay $0x1  }
0x6b: {  	v6 =	vadd.s32 v3, v6;
	_ =	sdelay $0x3  }
0x6c: {  	s17 =	simm.s32 $0xB080;
	v5 =	vperm.xlane v5, v4  }
0x6d: {  	[tilespmem:s17], [sflag:$0x1] =	stream.indirect_vreg.gather [hbm4b:s3+s2], $0x80, v6, vm0, $0xb8;
	[tilespmem:$0x1A080] =	vst v63  }
0x6e: {  	v5 =	vadd.s32 v3, v5;
	s17 =	simm.s32 $0xB880  }
0x6f: {  	[tilespmem:s17], [sflag:$0x1] =	stream.indirect_vreg.gather [hbm4b:s5+s2], $0x80, v6, vm0, $0xb8;
	[tilespmem:$0x1A080] =	vst v63  }
0x70: {  	s17 =	simm.s32 $0xC080  }
0x71: {  	[tilespmem:s17], [sflag:$0x1] =	stream.indirect_vreg.gather [hbm4b:s6+s2], $0x80, v6, vm0, $0xb8;
	[tilespmem:$0x1A080] =	vst v63  }
0x72: {  	s17 =	simm.s32 $0xC880  }
0x73: {  	[tilespmem:s17], [sflag:$0x1] =	stream.indirect_vreg.gather [hbm4b:s3+s2], $0x80, v5, vm0, $0xb8;
	[tilespmem:$0x1A080] =	vst v63  }
0x74: {  	s17 =	simm.s32 $0xD080  }
0x75: {  	[tilespmem:s17], [sflag:$0x1] =	stream.indirect_vreg.gather [hbm4b:s5+s2], $0x80, v5, vm0, $0xb8;
	[tilespmem:$0x1A080] =	vst v63  }
0x76: {  	s17 =	simm.s32 $0xD880  }
0x77: {  	[tilespmem:s17], [sflag:$0x1] =	stream.indirect_vreg.gather [hbm4b:s6+s2], $0x80, v5, vm0, $0xb8;
	[tilespmem:$0x1A080] =	vst v63  }
0x78: {  	v5 =	vld [tilespmem:$0x2040];
	_ =	sdelay $0x4  }
0x79: {  	v6 =	vshrl.u32 v5, $0x3  }
0x7a: {  	v6 =	vmul.u32 $0x30, v6  }
0x7b: {  	v5 =	vand.u32 $0x7, v5  }
0x7c: {  	v5 =	vor.u32 v5, v6  }
0x7d: {  	v6 =	vperm.xlane v5, v2;
	_ =	sdelay $0x1  }
0x7e: {  	v6 =	vadd.s32 v3, v6;
	_ =	sdelay $0x3  }
0x7f: {  	s17 =	simm.s32 $0xE080;
	v5 =	vperm.xlane v5, v4  }
0x80: {  	[tilespmem:s17], [sflag:$0x1] =	stream.indirect_vreg.gather [hbm4b:s3+s2], $0x80, v6, vm0, $0xb8;
	[tilespmem:$0x1A080] =	vst v63  }
0x81: {  	v5 =	vadd.s32 v3, v5;
	s17 =	simm.s32 $0xE880  }
0x82: {  	[tilespmem:s17], [sflag:$0x1] =	stream.indirect_vreg.gather [hbm4b:s5+s2], $0x80, v6, vm0, $0xb8;
	[tilespmem:$0x1A080] =	vst v63  }
0x83: {  	s17 =	simm.s32 $0xF080  }
0x84: {  	[tilespmem:s17], [sflag:$0x1] =	stream.indirect_vreg.gather [hbm4b:s6+s2], $0x80, v6, vm0, $0xb8;
	[tilespmem:$0x1A080] =	vst v63  }
0x85: {  	s17 =	simm.s32 $0xF880  }
0x86: {  	[tilespmem:s17], [sflag:$0x1] =	stream.indirect_vreg.gather [hbm4b:s3+s2], $0x80, v5, vm0, $0xb8;
	[tilespmem:$0x1A080] =	vst v63  }
0x87: {  	s17 =	simm.s32 $0x10080  }
0x88: {  	[tilespmem:s17], [sflag:$0x1] =	stream.indirect_vreg.gather [hbm4b:s5+s2], $0x80, v5, vm0, $0xb8;
	[tilespmem:$0x1A080] =	vst v63  }
0x89: {  	s17 =	simm.s32 $0x10880  }
0x8a: {  	[tilespmem:s17], [sflag:$0x1] =	stream.indirect_vreg.gather [hbm4b:s6+s2], $0x80, v5, vm0, $0xb8;
	[tilespmem:$0x1A080] =	vst v63  }
0x8b: {  	v5 =	vld [tilespmem:$0x2050];
	_ =	sdelay $0x4  }
0x8c: {  	v6 =	vshrl.u32 v5, $0x3  }
0x8d: {  	v6 =	vmul.u32 $0x30, v6  }
0x8e: {  	v5 =	vand.u32 $0x7, v5  }
0x8f: {  	v5 =	vor.u32 v5, v6  }
0x90: {  	v6 =	vperm.xlane v5, v2;
	_ =	sdelay $0x1  }
0x91: {  	v6 =	vadd.s32 v3, v6;
	_ =	sdelay $0x3  }
0x92: {  	v5 =	vperm.xlane v5, v4  }
0x93: {  	[tilespmem:s18], [sflag:$0x1] =	stream.indirect_vreg.gather [hbm4b:s3+s2], $0x80, v6, vm0, $0xb8;
	[tilespmem:$0x1A080] =	vst v63  }
0x94: {  	v5 =	vadd.s32 v3, v5  }
0x95: {  	[tilespmem:s19], [sflag:$0x1] =	stream.indirect_vreg.gather [hbm4b:s5+s2], $0x80, v6, vm0, $0xb8;
	[tilespmem:$0x1A080] =	vst v63  }
0x96: {  	_ = 	snop  }
0x97: {  	[tilespmem:s20], [sflag:$0x1] =	stream.indirect_vreg.gather [hbm4b:s6+s2], $0x80, v6, vm0, $0xb8;
	[tilespmem:$0x1A080] =	vst v63  }
0x98: {  	_ = 	snop  }
0x99: {  	[tilespmem:s21], [sflag:$0x1] =	stream.indirect_vreg.gather [hbm4b:s3+s2], $0x80, v5, vm0, $0xb8;
	[tilespmem:$0x1A080] =	vst v63  }
0x9a: {  	_ = 	snop  }
0x9b: {  	[tilespmem:s22], [sflag:$0x1] =	stream.indirect_vreg.gather [hbm4b:s5+s2], $0x80, v5, vm0, $0xb8;
	[tilespmem:$0x1A080] =	vst v63  }
0x9c: {  	_ = 	snop  }
0x9d: {  	[tilespmem:s23], [sflag:$0x1] =	stream.indirect_vreg.gather [hbm4b:s6+s2], $0x80, v5, vm0, $0xb8;
	[tilespmem:$0x1A080] =	vst v63  }
0x9e: {  	v5 =	vld [tilespmem:$0x2060];
	_ =	sdelay $0x4  }
0x9f: {  	v6 =	vshrl.u32 v5, $0x3  }
0xa0: {  	v6 =	vmul.u32 $0x30, v6  }
0xa1: {  	v5 =	vand.u32 $0x7, v5  }
0xa2: {  	v5 =	vor.u32 v5, v6  }
0xa3: {  	v6 =	vperm.xlane v5, v2;
	_ =	sdelay $0x1  }
0xa4: {  	v6 =	vadd.s32 v3, v6;
	_ =	sdelay $0x3  }
0xa5: {  	v5 =	vperm.xlane v5, v4  }
0xa6: {  	[tilespmem:s24], [sflag:$0x1] =	stream.indirect_vreg.gather [hbm4b:s3+s2], $0x80, v6, vm0, $0xb8;
	[tilespmem:$0x1A080] =	vst v63  }
0xa7: {  	v5 =	vadd.s32 v3, v5  }
0xa8: {  	[tilespmem:s25], [sflag:$0x1] =	stream.indirect_vreg.gather [hbm4b:s5+s2], $0x80, v6, vm0, $0xb8;
	[tilespmem:$0x1A080] =	vst v63  }
0xa9: {  	_ = 	snop  }
0xaa: {  	[tilespmem:s26], [sflag:$0x1] =	stream.indirect_vreg.gather [hbm4b:s6+s2], $0x80, v6, vm0, $0xb8;
	[tilespmem:$0x1A080] =	vst v63  }
0xab: {  	_ = 	snop  }
0xac: {  	[tilespmem:s28], [sflag:$0x1] =	stream.indirect_vreg.gather [hbm4b:s3+s2], $0x80, v5, vm0, $0xb8;
	[tilespmem:$0x1A080] =	vst v63  }
0xad: {  	_ = 	snop  }
0xae: {  	[tilespmem:s29], [sflag:$0x1] =	stream.indirect_vreg.gather [hbm4b:s5+s2], $0x80, v5, vm0, $0xb8;
	[tilespmem:$0x1A080] =	vst v63  }
0xaf: {  	_ = 	snop  }
0xb0: {  	[tilespmem:s30], [sflag:$0x1] =	stream.indirect_vreg.gather [hbm4b:s6+s2], $0x80, v5, vm0, $0xb8;
	[tilespmem:$0x1A080] =	vst v63  }
0xb1: {  	v5 =	vld [tilespmem:$0x2070];
	_ =	sdelay $0x4  }
0xb2: {  	v6 =	vshrl.u32 v5, $0x3  }
0xb3: {  	v6 =	vmul.u32 $0x30, v6  }
0xb4: {  	v5 =	vand.u32 $0x7, v5  }
0xb5: {  	v5 =	vor.u32 v5, v6  }
0xb6: {  	v6 =	vperm.xlane v5, v2;
	_ =	sdelay $0x1  }
0xb7: {  	v6 =	vadd.s32 v3, v6;
	_ =	sdelay $0x3  }
0xb8: {  	v5 =	vperm.xlane v5, v4  }
0xb9: {  	[tilespmem:s31], [sflag:$0x1] =	stream.indirect_vreg.gather [hbm4b:s3+s2], $0x80, v6, vm0, $0xb8;
	[tilespmem:$0x1A080] =	vst v63  }
0xba: {  	v5 =	vadd.s32 v3, v5  }
0xbb: {  	[tilespmem:s0], [sflag:$0x1] =	stream.indirect_vreg.gather [hbm4b:s5+s2], $0x80, v6, vm0, $0xb8;
	[tilespmem:$0x1A080] =	vst v63  }
0xbc: {  	_ = 	snop  }
0xbd: {  	[tilespmem:s1], [sflag:$0x1] =	stream.indirect_vreg.gather [hbm4b:s6+s2], $0x80, v6, vm0, $0xb8;
	[tilespmem:$0x1A080] =	vst v63  }
0xbe: {  	_ = 	snop  }
0xbf: {  	[tilespmem:s11], [sflag:$0x1] =	stream.indirect_vreg.gather [hbm4b:s3+s2], $0x80, v5, vm0, $0xb8;
	[tilespmem:$0x1A080] =	vst v63  }
0xc0: {  	_ = 	snop  }
0xc1: {  	[tilespmem:s12], [sflag:$0x1] =	stream.indirect_vreg.gather [hbm4b:s5+s2], $0x80, v5, vm0, $0xb8;
	[tilespmem:$0x1A080] =	vst v63  }
0xc2: {  	_ = 	snop  }
0xc3: {  	[tilespmem:s13], [sflag:$0x1] =	stream.indirect_vreg.gather [hbm4b:s6+s2], $0x80, v5, vm0, $0xb8;
	[tilespmem:$0x1A080] =	vst v63  }
0xc4: {  	s15 =	sadd.s32 $0x1, s15;
	_ =	swait.ge [sflag:s14], $0x18000  }
0xc5: {  	p0 =	sne.s32 s15, s8;
	[sflag:s14] =	ssyncset.done $0x0  }
.Ltmp1:
0xc6: {  	[sflag:s14] =	ssyncadd.s32 $0xFFFE8000;
	(pc) =	sbr.rel @p0 .LBB2_1-.Ltmp1, $4  }
0xc7: {  	[hbm4b:s7+s2] =	stream.linear.scatter [tilespmem:s10], [sflag:$0x2], $0x18000, $0x38;
	[tilespmem:$0x1A080] =	vst v63  }
0xc8: {  	_ =	swait.ge [sflag:s9], $0x18000  }
0xc9: {  	[sflag:s9] =	ssyncset.done $0x0  }
0xca: {  	[sflag:s9] =	ssyncadd.s32 $0xFFFE8000  }
0xcb: {  	_ =	sfence.sel $0x180000  }
0xcc: {  	[bflag:$0x0] =	sbarrier.arrive $0xFFFF  }
0xcd: {  	_ =	strace $0x9000004A  }
0xce: {  	s0 =	stileid.u32;
	[bflag:$0x2] =	sbarrier.arrive $0xFFFF  }
0xcf: {  	p0 =	sne.s32 s0, $0x0;
	s0 =	rddreg [dreg:$0x1]  }
0xd0: {  	s0 =	sadd.s32 @!p0 $0x100000, s0  }
0xd1: {  	[sflag:s0] =	ssyncadd.tile.s32 @!p0 $0x1;
	_ =	shalt  }
.Lfunc_end2:
_tile_overlayer_lowered:
.L_overlay_start_2:
0xd2: {  	(tag) =	ssettag $0x2  }
0xd3: {  	s0 =	rddreg [dreg:$0x0];
	s2 =	stileid.u32  }
0xd4: {  	s1 =	rddreg [dreg:$0x1];
	p0 =	sne.s32 s2, $0x0  }
0xd5: {  	s3 =	rddreg [dreg:$0x2];
	[bflag:$0x3] =	sbarrier.arrive $0xFFFF;
	s2 =	simm.s32 @!p0 $0x1C02  }
0xd6: {  	[timem:s3], [sflag:s2] =	dma.local @!p0 [hbm:s0], s1  }
0xd7: {  	s0 =	simm.s32 @!p0 $0x2  }
0xd8: {  	_ =	swait.ge @!p0 [sflag:s0], s1  }
0xd9: {  	s1 =	ssub.s32 @!p0 $0x0, s1;
	[sflag:s0] =	ssyncset.done @!p0 $0x0  }
0xda: {  	[sflag:s0] =	ssyncadd.s32 @!p0 s1  }
0xdb: {  	[bflag:$0x3] =	sbarrier.arrive $0xFFFF  }
0xdc: {  	_ =	shalt  }

// kernel: kernel.7.cloned.1.call-start
scs
__scs_entry_jumppad:
0x0: {  	(pc) =	sbr.rel $0x88, $3  }
0x1: {  	(tag) =	ssettag $0x0;
	lr =	simm.s32 $0x1  }
0x2: {  	[smem:$0x3F9C] =	sst lr;
	_ =	strace $0xD0000000  }
0x3: {  	_ = 	snop  }
0x4: {  	_ = 	snop  }
0x5: {  	_ = 	snop  }
0x6: {  	_ = 	snop  }
0x7: {  	_ = 	snop  }
__scs_overlays_trampoline_lowered:
0x8: {  	[smem:$0x3FAB] =	sst s0  }
0x9: {  	[smem:$0x3FAC] =	sst s1  }
0xa: {  	[smem:$0x3FAD] =	sst s2  }
0xb: {  	[smem:$0x3FAE] =	sst s3  }
0xc: {  	[smem:$0x3FAF] =	sst s4  }
0xd: {  	[smem:$0x3FB0] =	sst s5  }
0xe: {  	[smem:$0x3FB1] =	sst s6  }
0xf: {  	[smem:$0x3FB2] =	sst s7  }
0x10: {  	[smem:$0x3FB3] =	sst s8  }
0x11: {  	[smem:$0x3FB4] =	sst s9;
	s0 =	simm.s32 @!p0 $0x0  }
0x12: {  	s1 =	sld [smem:$0x3F9A];
	s0 =	simm.s32 @p0 $0x1  }
0x13: {  	[smem:$0x3FB5] =	sst s0;
	s0 =	simm.s32 @!p1 $0x0  }
0x14: {  	s2 =	sld [smem:$0x3F99];
	s0 =	simm.s32 @p1 $0x1  }
0x15: {  	[smem:$0x3FB6] =	sst s0;
	s0 =	simm.s32 @!p2 $0x0  }
0x16: {  	s3 =	sld [smem:$0x3FDB];
	s0 =	simm.s32 @p2 $0x1  }
0x17: {  	s4 =	simm.s32 $0x1BF5;
	[smem:$0x3FB8] =	sst s0  }
0x18: {  	s0 =	sld [smem:$0x3F9B];
	_ =	swait.ge [sflag:s4], $0x0  }
0x19: {  	s7 =	sld [smem:$0x3F9C]  }
0x1a: {  	s8 =	sadd.s32 $0xFFFFE003, lr  }
0x1b: {  	s9 =	sadd.s32 $0xFFFFFEF7, lr;
	s5 =	simm.s32 $0xFFFFFFFF;
	p2 =	slt.u32 s8, $0xFFFFF086  }
0x1c: {  	p1 =	slt.u32 s9, $0xF7A;
	s5 =	simm.s32 @!p2 $0x0  }
0x1d: {  	s5 =	simm.s32 @p1 $0x1;
	p0 =	seq.s32 s7, s2  }
0x1e: {  	s7 =	smul.u32 @!p0 $0xF7A, s2;
	p2 =	seq.s32 @!p0 s5, $0x0  }
0x1f: {  	s9 =	smul.u32 $0xF7A, s1;
	s8 =	simm.s32 @!p0 $0x1BF5;
	p2 =	por !p2, p0  }
0x20: {  	[sflag:s8] =	ssyncset.s32 @!p0 $0xFFFFF086;
	s6 =	sadd.s32 @!p0 s3, s7;
	s7 =	simm.s32 @!p0 $0x108  }
0x21: {  	s3 =	sadd.s32 s3, s9;
	s6 =	sadd.s32 @!p0 $0x88, s6;
	s7 =	simm.s32 @p2 $0x1082  }
0x22: {  	[simem:s7], [sflag:s8] =	dma.local @!p0 [hbm:s6], $0xF7A  }
0x23: {  	s9 =	sor.u32 $0xD0000000, s2;
	s6 =	simm.s32 $0x108;
	_ =	swait.ge @!p0 [sflag:s8], $0x0  }
0x24: {  	s3 =	sadd.s32 $0x88, s3;
	s6 =	simm.s32 @!p1 $0x1082;
	[sflag:s4] =	ssyncset.s32 $0xFFFFF086  }
0x25: {  	[simem:s6], [sflag:s4] =	dma.local [hbm:s3], $0xF7A  }
0x26: {  	[smem:$0x3F9C] =	sst s1;
	(tag) =	ssettag s2;
	_ =	strace s9  }
0x27: {  	s1 =	sld [smem:$0x3FAC]  }
0x28: {  	s2 =	sld [smem:$0x3FAD]  }
0x29: {  	s4 =	sld [smem:$0x3FAF]  }
0x2a: {  	p0 =	seq.s32 s5, $0x0;
	s5 =	sld [smem:$0x3FB0]  }
0x2b: {  	s6 =	sld [smem:$0x3FB1]  }
0x2c: {  	s7 =	sld [smem:$0x3FB2]  }
0x2d: {  	s3 =	simm.s32 $0x108;
	s8 =	sld [smem:$0x3FB3]  }
0x2e: {  	s3 =	simm.s32 @!p0 $0x1082;
	s9 =	sld [smem:$0x3FB4]  }
0x2f: {  	lr =	sadd.s32 s0, s3;
	s0 =	sld [smem:$0x3FAB]  }
0x30: {  	s3 =	sld [smem:$0x3FAE]  }
0x31: {  	[smem:$0x3FB7] =	sst s10  }
0x32: {  	s10 =	sld [smem:$0x3FB5];
	_ =	sdelay $0x3  }
0x33: {  	p0 =	seq.s32 s10, $0x1;
	s10 =	sld [smem:$0x3FB7];
	_ =	sdelay $0x3  }
0x34: {  	[smem:$0x3FB7] =	sst s10  }
0x35: {  	s10 =	sld [smem:$0x3FB6];
	_ =	sdelay $0x3  }
0x36: {  	p1 =	seq.s32 s10, $0x1;
	s10 =	sld [smem:$0x3FB7];
	_ =	sdelay $0x3  }
0x37: {  	[smem:$0x3FB7] =	sst s10  }
0x38: {  	s10 =	sld [smem:$0x3FB8]  }
0x39: {  	_ = 	snop;
	(pc) =	sbr.ind lr, $3  }
0x3a: {  	_ = 	snop  }
0x3b: {  	_ = 	snop  }
0x3c: {  	p2 =	seq.s32 s10, $0x1;
	s10 =	sld [smem:$0x3FB7]  }
0x3d: {  	_ =	shalt  }
0x3e: {  	_ =	shalt  }
0x3f: {  	_ =	shalt  }
0x40: {  	_ =	shalt  }
0x41: {  	_ =	shalt  }
0x42: {  	_ =	shalt  }
0x43: {  	_ =	shalt  }
0x44: {  	_ =	shalt  }
0x45: {  	_ =	shalt  }
0x46: {  	_ =	shalt  }
0x47: {  	_ =	shalt  }
0x48: {  	_ =	shalt  }
0x49: {  	_ =	shalt  }
0x4a: {  	_ =	shalt  }
0x4b: {  	_ =	shalt  }
0x4c: {  	_ =	shalt  }
0x4d: {  	_ =	shalt  }
0x4e: {  	_ =	shalt  }
0x4f: {  	_ =	shalt  }
0x50: {  	_ =	shalt  }
0x51: {  	_ =	shalt  }
0x52: {  	_ =	shalt  }
0x53: {  	_ =	shalt  }
0x54: {  	_ =	shalt  }
0x55: {  	_ =	shalt  }
0x56: {  	_ =	shalt  }
0x57: {  	_ =	shalt  }
0x58: {  	_ =	shalt  }
0x59: {  	_ =	shalt  }
0x5a: {  	_ =	shalt  }
0x5b: {  	_ =	shalt  }
0x5c: {  	_ =	shalt  }
0x5d: {  	_ =	shalt  }
0x5e: {  	_ =	shalt  }
0x5f: {  	_ =	shalt  }
0x60: {  	_ =	shalt  }
0x61: {  	_ =	shalt  }
0x62: {  	_ =	shalt  }
0x63: {  	_ =	shalt  }
0x64: {  	_ =	shalt  }
0x65: {  	_ =	shalt  }
0x66: {  	_ =	shalt  }
0x67: {  	_ =	shalt  }
0x68: {  	_ =	shalt  }
0x69: {  	_ =	shalt  }
0x6a: {  	_ =	shalt  }
0x6b: {  	_ =	shalt  }
0x6c: {  	_ =	shalt  }
0x6d: {  	_ =	shalt  }
0x6e: {  	_ =	shalt  }
0x6f: {  	_ =	shalt  }
0x70: {  	_ =	shalt  }
0x71: {  	_ =	shalt  }
0x72: {  	_ =	shalt  }
0x73: {  	_ =	shalt  }
0x74: {  	_ =	shalt  }
0x75: {  	_ =	shalt  }
0x76: {  	_ =	shalt  }
0x77: {  	_ =	shalt  }
0x78: {  	_ =	shalt  }
0x79: {  	_ =	shalt  }
0x7a: {  	_ =	shalt  }
0x7b: {  	_ =	shalt  }
0x7c: {  	_ =	shalt  }
0x7d: {  	_ =	shalt  }
0x7e: {  	_ =	shalt  }
0x7f: {  	_ =	shalt  }
0x80: {  	_ =	shalt  }
0x81: {  	_ =	shalt  }
0x82: {  	_ =	shalt  }
0x83: {  	_ =	shalt  }
0x84: {  	_ =	shalt  }
0x85: {  	_ =	shalt  }
0x86: {  	_ =	shalt  }
0x87: {  	_ =	shalt  }
.Lfunc_end0:
.L_simem_size_0:
called_computation_lowered:
.L_overlay_start_0:
0x88: {  	s2 =	sld [smem:$0x3FD9]  }
0x89: {  	s3 =	sld [smem:$0x3FFE];
	_ =	sdelay $0x1  }
0x8a: {  	s1 =	srdreg.scid  }
0x8b: {  	s0 =	sand.u32 $0x1, s1  }
0x8c: {  	s14 =	sshll.u32 s0, $0xA;
	s2 =	sadd.s32 s3, s2  }
0x8d: {  	s2 =	sadd.s32 s2, s14  }
0x8e: {  	[smem:$0x3FC3] =	sst s2  }
0x8f: {  	_ = 	snop  }
0x90: {  	s2 =	sld [smem:$0x3FD0];
	_ =	sdelay $0x2  }
0x91: {  	s15 =	simm.s32 $0xA;
	s4 =	simm.s32 $0x10  }
0x92: {  	[smem:s4], [sflag:s15] =	dma.local [hbm:s2], $0x1  }
0x93: {  	_ =	swait.eq [sflag:s15], $0x1  }
0x94: {  	[sflag:s15] =	ssyncset.done $0x0  }
0x95: {  	[sflag:s15] =	ssyncadd.s32 $0xFFFFFFFF  }
0x96: {  	s16 =	sld [smem:$0x10];
	(tm) =	ssettm $0x1  }
0x97: {  	s17 =	sld [smem:$0x3FFB];
	_ =	sdelay $0x3  }
0x98: {  	_ =	strace s17  }
0x99: {  	s3 =	sld [smem:$0x3FFC];
	_ =	sdelay $0x3  }
0x9a: {  	_ =	strace s3  }
0x9b: {  	s3 =	sld [smem:$0x3FFD];
	_ =	sdelay $0x3  }
0x9c: {  	_ =	strace s3  }
0x9d: {  	_ =	strace $0x8FFFFFFF  }
0x9e: {  	s18 =	sld [smem:$0x3FDB];
	_ =	sdelay $0x1  }
0x9f: {  	s19 =	simm.s32 $_scs_section_size  }
0xa0: {  	s5 =	simm.s32 $_size__tile_overlayer_lowered;
	s6 =	simm.s32 $_tile_overlayer_lowered  }
0xa1: {  	s22 =	simm.s32 $0x1BFF;
	s21 =	sshll.u32 s6, $0x1;
	s3 =	sadd.s32 s19, s18  }
0xa2: {  	s7 =	simm.s32 $0x0;
	s20 =	sshll.u32 s5, $0x1;
	s5 =	sadd.s32 s21, s3  }
0xa3: {  	[timem:s7], [sflag:s22] =	dma.local [hbm:s5], s20  }
0xa4: {  	_ =	swait.ge [sflag:s22], s20  }
0xa5: {  	s4 =	ssub.s32 $0x0, s20;
	[sflag:s22] =	ssyncset.done $0x0  }
0xa6: {  	[sflag:s22] =	ssyncadd.s32 s4;
	_ =	sdelay $0x1  }
0xa7: {  	s23 =	simm.s32 $0x1B8B  }
0xa8: {  	_ =	swait.ge [sflag:s23], $0x1  }
0xa9: {  	[sflag:s23] =	ssyncset.done $0x0  }
0xaa: {  	s25 =	simm.s32 $0x1B8E;
	s24 =	sld [smem:$0x3FFE];
	[sflag:s23] =	ssyncadd.s32 $0xFFFFFFFF  }
0xab: {  	s26 =	simm.s32 $execute0_lowered;
	[smem:$0x3FD2] =	sst s25  }
0xac: {  	s5 =	sshll.u32 s26, $0x1;
	_ =	strace $0x80000046;
	[dreg:$0x1] =	wrdreg $0xFFFFFFFF  }
0xad: {  	s28 =	simm.s32 $_size_execute0_lowered;
	s3 =	sadd.s32 s3, s5;
	[dreg:$0x0] =	wrdreg $0x0  }
0xae: {  	s5 =	sshll.u32 s28, $0x1;
	[dreg:$0x2] =	wrdreg s3  }
0xaf: {  	[dreg:$0x3] =	wrdreg s5  }
0xb0: {  	[dreg:$0x4] =	wrdreg $0xC0  }
0xb1: {  	_ =	task [dreg:s7], $0x5FFFF  }
0xb2: {  	[dreg:$0x1] =	wrdreg $0xFFFFFFFF  }
0xb3: {  	[dreg:$0x0] =	wrdreg $0x60  }
0xb4: {  	[dreg:$0x2] =	wrdreg s16  }
0xb5: {  	[dreg:$0x3] =	wrdreg s24  }
0xb6: {  	[dreg:$0x4] =	wrdreg $0x9  }
0xb7: {  	_ =	task.clear_ibuf [dreg:s7], $0x5FFFF;
	_ =	strace $0x90000046  }
0xb8: {  	s29 =	simm.s32 $0x9;
	_ =	strace $0x80000048  }
0xb9: {  	_ =	swait.ge [sflag:s29], $0x1  }
0xba: {  	[sflag:s29] =	ssyncadd.s32 $0xFFFFFFFF  }
0xbb: {  	_ =	strace $0x90000048  }
0xbc: {  	_ =	sfence  }
0xbd: {  	s30 =	sld [smem:$0x0];
	_ =	sdelay $0x2  }
0xbe: {  	s31 =	sshll.u32 s1, $0xD;
	s1 =	sshrl.u32 s1, $0x2  }
0xbf: {  	s3 =	sand.u32 $0x4000, s31;
	s1 =	sadd.s32 s1, s30  }
0xc0: {  	s0 =	sor.u32 s3, s0;
	s1 =	sshll.u32 s1, $0x11  }
0xc1: {  	s0 =	sor.u32 s1, s0  }
0xc2: {  	s0 =	sadd.s32 $0x8F2B, s0  }
0xc3: {  	[sflag:s0] =	ssyncadd.remote.s32 $0x1  }
0xc4: {  	_ =	sfence.sel $0xFFFF  }
0xc5: {  	[dreg:$0x0] =	wrdreg $0xFFFFFFFF;
	(pc) =	sbr.abs _section_cstart, $3  }
0xc6: {  	[dreg:$0x1] =	wrdreg $0xFFFFFFFF  }
0xc7: {  	_ =	task.clear_ibuf [dreg:s7], $0x2FFFF;
	_ =	strace $0x9FFFFFFF  }
0xc8: {  	(tm) =	ssettm $0x7FFFFFFF  }
0xc9: {  	_ =	shalt  }
tec
execute0_lowered:
.L_overlay_start_1:
0x0: {  	(tag) =	ssettag $0x1  }
0x1: {  	s0 =	rddreg [dreg:$0x0]  }
0x2: {  	s1 =	rddreg [dreg:$0x1]  }
0x3: {  	s3 =	srdreg.scid;
	s4 =	stileid.u32  }
0x4: {  	s2 =	simm.s32 $0x0;
	s8 =	simm.s32 $0x2100;
	s9 =	simm.s32 $0x1  }
0x5: {  	s11 =	simm.s32 $0x3100;
	s12 =	simm.s32 $0x3900;
	s13 =	simm.s32 $0x4100  }
0x6: {  	s14 =	simm.s32 $0x4900;
	s15 =	simm.s32 $0x5100;
	s16 =	simm.s32 $0x5900  }
0x7: {  	s17 =	simm.s32 $0x6100;
	s18 =	simm.s32 $0x6900;
	s19 =	simm.s32 $0x7100  }
0x8: {  	s20 =	simm.s32 $0x7900;
	s21 =	simm.s32 $0x8100;
	s22 =	simm.s32 $0x8900  }
0x9: {  	s23 =	simm.s32 $0x9100;
	s24 =	simm.s32 $0x9900;
	s25 =	simm.s32 $0xA100  }
0xa: {  	s26 =	simm.s32 $0xA900;
	s28 =	simm.s32 $0xB100;
	s29 =	simm.s32 $0xB900  }
0xb: {  	s30 =	simm.s32 $0xC100;
	s3 =	sand.u32 $0x1, s3;
	s4 =	sshll.u32 s4, $0x1  }
0xc: {  	s31 =	simm.s32 $0xC900;
	[smem:$0x7FF] =	sst s2;
	s4 =	sor.u32 s3, s4  }
0xd: {  	v10 =	vlaneseq.u32;
	_ =	strace $0x80000047;
	s6 =	ssub.s32 $0x2, s3;
	s5 =	sshll.u32 s4, $0xA  }
0xe: {  	v0 =	vmul.u32 $0x80, v10;
	s4 =	smul.u32 $0x1800, s4;
	s7 =	sshrl.u32 s6, $0x1;
	s5 =	sadd.s32 s5, s1  }
0xf: {  	vm0 =	vmmov $0xffff;
	v9 =	vshrl.u32 v10, $0x3;
	v8 =	vand.u32 $0x7, v10;
	s3 =	sadd.s32 $0x19800, s1;
	s6 =	ssub.s32 s6, s7;
	s5 =	sadd.s32 $0x1800, s5  }
0x10: {  	v10 =	vor.u32 $0x8, v10;
	v9 =	vmul.u32 $0x8, v9;
	v1 =	vor.u32 $0x1, v0;
	s7 =	simm.s32 $0x2;
	s0 =	sadd.s32 s0, s4;
	[dreg:$0x3] =	wrdreg s5  }
0x11: {  	v2 =	vor.u32 $0x800, v0;
	v3 =	vor.u32 $0x801, v0;
	v4 =	vor.u32 $0x1000, v0;
	s4 =	sadd.s32 $0x19900, s1;
	s6 =	smax.u32 s6, $0x1;
	[dreg:$0x4] =	wrdreg s0  }
0x12: {  	v5 =	vor.u32 $0x1001, v0;
	v6 =	vor.u32 $0x1800, v0;
	v7 =	vor.u32 $0x1801, v0;
	s5 =	sadd.s32 $0x19A00, s1;
	s0 =	simm.s32 $0xD100;
	s1 =	simm.s32 $0xD900  }
.LBB2_1:
0x13: {  	s10 =	rddreg [dreg:$0x3]  }
0x14: {  	[tilespmem:s2], [sflag:$0x2] =	stream.linear.gather [hbm4b:s10+s2], $0x2000, $0x38;
	[tilespmem:$0xE100] =	vst v63  }
0x15: {  	_ =	swait.ge [sflag:s7], $0x2000  }
0x16: {  	[sflag:s7] =	ssyncset.done $0x0  }
0x17: {  	s10 =	rddreg [dreg:$0x4];
	[sflag:s7] =	ssyncadd.s32 $0xFFFFE000  }
0x18: {  	[tilespmem:s8], [sflag:$0x1] =	stream.linear.gather [hbm4b:s10+s2], $0xC000, $0x38;
	[tilespmem:$0xE100] =	vst v63  }
0x19: {  	v11 =	vld.idx.msk [tilespmem:v0+s2+$0x0], $0xffff;
	_ =	sdelay $0x4  }
0x1a: {  	[tilespmem:$0x2000] =	vst v11  }
0x1b: {  	v11 =	vld.idx.msk [tilespmem:v1+s2+$0x0], $0xffff;
	_ =	sdelay $0x4  }
0x1c: {  	[tilespmem:$0x2080] =	vst v11  }
0x1d: {  	v11 =	vld.idx.msk [tilespmem:v2+s2+$0x0], $0xffff;
	_ =	sdelay $0x4  }
0x1e: {  	[tilespmem:$0x2010] =	vst v11  }
0x1f: {  	v11 =	vld.idx.msk [tilespmem:v3+s2+$0x0], $0xffff;
	_ =	sdelay $0x4  }
0x20: {  	[tilespmem:$0x2090] =	vst v11  }
0x21: {  	v11 =	vld.idx.msk [tilespmem:v4+s2+$0x0], $0xffff;
	_ =	sdelay $0x4  }
0x22: {  	[tilespmem:$0x2020] =	vst v11  }
0x23: {  	v11 =	vld.idx.msk [tilespmem:v5+s2+$0x0], $0xffff;
	_ =	sdelay $0x4  }
0x24: {  	[tilespmem:$0x20A0] =	vst v11  }
0x25: {  	v11 =	vld.idx.msk [tilespmem:v6+s2+$0x0], $0xffff;
	_ =	sdelay $0x4  }
0x26: {  	[tilespmem:$0x2030] =	vst v11  }
0x27: {  	v11 =	vld.idx.msk [tilespmem:v7+s2+$0x0], $0xffff;
	_ =	sdelay $0x4  }
0x28: {  	[tilespmem:$0x20B0] =	vst v11  }
0x29: {  	_ =	swait.ge [sflag:s9], $0xC000  }
0x2a: {  	[sflag:s9] =	ssyncset.done $0x0  }
0x2b: {  	[sflag:s9] =	ssyncadd.s32 $0xFFFF4000  }
0x2c: {  	v11 =	vld [tilespmem:$0x2000];
	_ =	sdelay $0x4  }
0x2d: {  	v12 =	vshrl.u32 v11, $0x3  }
0x2e: {  	v12 =	vmul.u32 $0x30, v12  }
0x2f: {  	v11 =	vand.u32 $0x7, v11  }
0x30: {  	v11 =	vor.u32 v11, v12  }
0x31: {  	v12 =	vperm.xlane v11, v8;
	_ =	sdelay $0x1  }
0x32: {  	v12 =	vadd.s32 v9, v12;
	_ =	sdelay $0x3  }
0x33: {  	v11 =	vperm.xlane v11, v10  }
0x34: {  	[hbm4b:s3+s2] =	stream.indirect_vreg.scatter [tilespmem:s8], [sflag:$0x1], $0x80, v12, vm0, $0xb8;
	[tilespmem:$0xE100] =	vst v63  }
0x35: {  	s10 =	simm.s32 $0x2900;
	v11 =	vadd.s32 v9, v11  }
0x36: {  	[hbm4b:s4+s2] =	stream.indirect_vreg.scatter [tilespmem:s10], [sflag:$0x1], $0x80, v12, vm0, $0xb8;
	[tilespmem:$0xE100] =	vst v63  }
0x37: {  	_ = 	snop  }
0x38: {  	[hbm4b:s5+s2] =	stream.indirect_vreg.scatter [tilespmem:s11], [sflag:$0x1], $0x80, v12, vm0, $0xb8;
	[tilespmem:$0xE100] =	vst v63  }
0x39: {  	_ = 	snop  }
0x3a: {  	[hbm4b:s3+s2] =	stream.indirect_vreg.scatter [tilespmem:s12], [sflag:$0x1], $0x80, v11, vm0, $0xb8;
	[tilespmem:$0xE100] =	vst v63  }
0x3b: {  	_ = 	snop  }
0x3c: {  	[hbm4b:s4+s2] =	stream.indirect_vreg.scatter [tilespmem:s13], [sflag:$0x1], $0x80, v11, vm0, $0xb8;
	[tilespmem:$0xE100] =	vst v63  }
0x3d: {  	_ = 	snop  }
0x3e: {  	[hbm4b:s5+s2] =	stream.indirect_vreg.scatter [tilespmem:s14], [sflag:$0x1], $0x80, v11, vm0, $0xb8;
	[tilespmem:$0xE100] =	vst v63  }
0x3f: {  	v11 =	vld [tilespmem:$0x2010];
	_ =	sdelay $0x4  }
0x40: {  	v57 =	vshrl.u32 v11, $0x3  }
0x41: {  	v12 =	vmul.u32 $0x30, v57  }
0x42: {  	v11 =	vand.u32 $0x7, v11  }
0x43: {  	v11 =	vor.u32 v11, v12  }
0x44: {  	v12 =	vperm.xlane v11, v8;
	_ =	sdelay $0x1  }
0x45: {  	v12 =	vadd.s32 v9, v12;
	_ =	sdelay $0x3  }
0x46: {  	v11 =	vperm.xlane v11, v10  }
0x47: {  	[hbm4b:s3+s2] =	stream.indirect_vreg.scatter [tilespmem:s15], [sflag:$0x1], $0x80, v12, vm0, $0xb8;
	[tilespmem:$0xE100] =	vst v63  }
0x48: {  	v11 =	vadd.s32 v9, v11  }
0x49: {  	[hbm4b:s4+s2] =	stream.indirect_vreg.scatter [tilespmem:s16], [sflag:$0x1], $0x80, v12, vm0, $0xb8;
	[tilespmem:$0xE100] =	vst v63  }
0x4a: {  	_ = 	snop  }
0x4b: {  	[hbm4b:s5+s2] =	stream.indirect_vreg.scatter [tilespmem:s17], [sflag:$0x1], $0x80, v12, vm0, $0xb8;
	[tilespmem:$0xE100] =	vst v63  }
0x4c: {  	_ = 	snop  }
0x4d: {  	[hbm4b:s3+s2] =	stream.indirect_vreg.scatter [tilespmem:s18], [sflag:$0x1], $0x80, v11, vm0, $0xb8;
	[tilespmem:$0xE100] =	vst v63  }
0x4e: {  	_ = 	snop  }
0x4f: {  	[hbm4b:s4+s2] =	stream.indirect_vreg.scatter [tilespmem:s19], [sflag:$0x1], $0x80, v11, vm0, $0xb8;
	[tilespmem:$0xE100] =	vst v63  }
0x50: {  	_ = 	snop  }
0x51: {  	[hbm4b:s5+s2] =	stream.indirect_vreg.scatter [tilespmem:s20], [sflag:$0x1], $0x80, v11, vm0, $0xb8;
	[tilespmem:$0xE100] =	vst v63  }
0x52: {  	v11 =	vld [tilespmem:$0x2020];
	_ =	sdelay $0x4  }
0x53: {  	v58 =	vshrl.u32 v11, $0x3  }
0x54: {  	v12 =	vmul.u32 $0x30, v58  }
0x55: {  	v11 =	vand.u32 $0x7, v11  }
0x56: {  	v11 =	vor.u32 v11, v12  }
0x57: {  	v12 =	vperm.xlane v11, v8;
	_ =	sdelay $0x1  }
0x58: {  	v12 =	vadd.s32 v9, v12;
	_ =	sdelay $0x3  }
0x59: {  	v11 =	vperm.xlane v11, v10  }
0x5a: {  	[hbm4b:s3+s2] =	stream.indirect_vreg.scatter [tilespmem:s21], [sflag:$0x1], $0x80, v12, vm0, $0xb8;
	[tilespmem:$0xE100] =	vst v63  }
0x5b: {  	v11 =	vadd.s32 v9, v11  }
0x5c: {  	[hbm4b:s4+s2] =	stream.indirect_vreg.scatter [tilespmem:s22], [sflag:$0x1], $0x80, v12, vm0, $0xb8;
	[tilespmem:$0xE100] =	vst v63  }
0x5d: {  	_ = 	snop  }
0x5e: {  	[hbm4b:s5+s2] =	stream.indirect_vreg.scatter [tilespmem:s23], [sflag:$0x1], $0x80, v12, vm0, $0xb8;
	[tilespmem:$0xE100] =	vst v63  }
0x5f: {  	_ = 	snop  }
0x60: {  	[hbm4b:s3+s2] =	stream.indirect_vreg.scatter [tilespmem:s24], [sflag:$0x1], $0x80, v11, vm0, $0xb8;
	[tilespmem:$0xE100] =	vst v63  }
0x61: {  	_ = 	snop  }
0x62: {  	[hbm4b:s4+s2] =	stream.indirect_vreg.scatter [tilespmem:s25], [sflag:$0x1], $0x80, v11, vm0, $0xb8;
	[tilespmem:$0xE100] =	vst v63  }
0x63: {  	_ = 	snop  }
0x64: {  	[hbm4b:s5+s2] =	stream.indirect_vreg.scatter [tilespmem:s26], [sflag:$0x1], $0x80, v11, vm0, $0xb8;
	[tilespmem:$0xE100] =	vst v63  }
0x65: {  	v11 =	vld [tilespmem:$0x2030];
	_ =	sdelay $0x4  }
0x66: {  	v59 =	vshrl.u32 v11, $0x3  }
0x67: {  	v12 =	vmul.u32 $0x30, v59  }
0x68: {  	v11 =	vand.u32 $0x7, v11  }
0x69: {  	v11 =	vor.u32 v11, v12  }
0x6a: {  	v12 =	vperm.xlane v11, v8;
	_ =	sdelay $0x1  }
0x6b: {  	v12 =	vadd.s32 v9, v12;
	_ =	sdelay $0x3  }
0x6c: {  	v11 =	vperm.xlane v11, v10  }
0x6d: {  	[hbm4b:s3+s2] =	stream.indirect_vreg.scatter [tilespmem:s28], [sflag:$0x1], $0x80, v12, vm0, $0xb8;
	[tilespmem:$0xE100] =	vst v63  }
0x6e: {  	v11 =	vadd.s32 v9, v11  }
0x6f: {  	[hbm4b:s4+s2] =	stream.indirect_vreg.scatter [tilespmem:s29], [sflag:$0x1], $0x80, v12, vm0, $0xb8;
	[tilespmem:$0xE100] =	vst v63  }
0x70: {  	_ = 	snop  }
0x71: {  	[hbm4b:s5+s2] =	stream.indirect_vreg.scatter [tilespmem:s30], [sflag:$0x1], $0x80, v12, vm0, $0xb8;
	[tilespmem:$0xE100] =	vst v63  }
0x72: {  	_ = 	snop  }
0x73: {  	[hbm4b:s3+s2] =	stream.indirect_vreg.scatter [tilespmem:s31], [sflag:$0x1], $0x80, v11, vm0, $0xb8;
	[tilespmem:$0xE100] =	vst v63  }
0x74: {  	_ = 	snop  }
0x75: {  	[hbm4b:s4+s2] =	stream.indirect_vreg.scatter [tilespmem:s0], [sflag:$0x1], $0x80, v11, vm0, $0xb8;
	[tilespmem:$0xE100] =	vst v63  }
0x76: {  	_ = 	snop  }
0x77: {  	[hbm4b:s5+s2] =	stream.indirect_vreg.scatter [tilespmem:s1], [sflag:$0x1], $0x80, v11, vm0, $0xb8;
	[tilespmem:$0xE100] =	vst v63  }
0x78: {  	_ =	swait.ge [sflag:s9], $0xC000  }
0x79: {  	[sflag:s9] =	ssyncset.done $0x0  }
0x7a: {  	[sflag:s9] =	ssyncadd.s32 $0xFFFF4000  }
0x7b: {  	v11 =	vld [tilespmem:$0x2080];
	_ =	sdelay $0x4  }
0x7c: {  	v60 =	vshrl.u32 v11, $0x3  }
0x7d: {  	v12 =	vmul.u32 $0x30, v60  }
0x7e: {  	v11 =	vand.u32 $0x7, v11  }
0x7f: {  	v11 =	vor.u32 v11, v12  }
0x80: {  	v12 =	vperm.xlane v11, v8;
	_ =	sdelay $0x1  }
0x81: {  	v12 =	vadd.s32 v9, v12;
	_ =	sdelay $0x3  }
0x82: {  	v11 =	vperm.xlane v11, v10  }
0x83: {  	[hbm4b:s3+s2] =	stream.indirect_vreg.scatter [tilespmem:s8], [sflag:$0x1], $0x80, v12, vm0, $0xb8;
	[tilespmem:$0xE100] =	vst v63  }
0x84: {  	v11 =	vadd.s32 v9, v11  }
0x85: {  	[hbm4b:s4+s2] =	stream.indirect_vreg.scatter [tilespmem:s10], [sflag:$0x1], $0x80, v12, vm0, $0xb8;
	[tilespmem:$0xE100] =	vst v63  }
0x86: {  	_ = 	snop  }
0x87: {  	[hbm4b:s5+s2] =	stream.indirect_vreg.scatter [tilespmem:s11], [sflag:$0x1], $0x80, v12, vm0, $0xb8;
	[tilespmem:$0xE100] =	vst v63  }
0x88: {  	_ = 	snop  }
0x89: {  	[hbm4b:s3+s2] =	stream.indirect_vreg.scatter [tilespmem:s12], [sflag:$0x1], $0x80, v11, vm0, $0xb8;
	[tilespmem:$0xE100] =	vst v63  }
0x8a: {  	_ = 	snop  }
0x8b: {  	[hbm4b:s4+s2] =	stream.indirect_vreg.scatter [tilespmem:s13], [sflag:$0x1], $0x80, v11, vm0, $0xb8;
	[tilespmem:$0xE100] =	vst v63  }
0x8c: {  	_ = 	snop  }
0x8d: {  	[hbm4b:s5+s2] =	stream.indirect_vreg.scatter [tilespmem:s14], [sflag:$0x1], $0x80, v11, vm0, $0xb8;
	[tilespmem:$0xE100] =	vst v63  }
0x8e: {  	v11 =	vld [tilespmem:$0x2090];
	_ =	sdelay $0x4  }
0x8f: {  	v61 =	vshrl.u32 v11, $0x3  }
0x90: {  	v12 =	vmul.u32 $0x30, v61  }
0x91: {  	v11 =	vand.u32 $0x7, v11  }
0x92: {  	v11 =	vor.u32 v11, v12  }
0x93: {  	v12 =	vperm.xlane v11, v8;
	_ =	sdelay $0x1  }
0x94: {  	v12 =	vadd.s32 v9, v12;
	_ =	sdelay $0x3  }
0x95: {  	v11 =	vperm.xlane v11, v10  }
0x96: {  	[hbm4b:s3+s2] =	stream.indirect_vreg.scatter [tilespmem:s15], [sflag:$0x1], $0x80, v12, vm0, $0xb8;
	[tilespmem:$0xE100] =	vst v63  }
0x97: {  	v11 =	vadd.s32 v9, v11  }
0x98: {  	[hbm4b:s4+s2] =	stream.indirect_vreg.scatter [tilespmem:s16], [sflag:$0x1], $0x80, v12, vm0, $0xb8;
	[tilespmem:$0xE100] =	vst v63  }
0x99: {  	_ = 	snop  }
0x9a: {  	[hbm4b:s5+s2] =	stream.indirect_vreg.scatter [tilespmem:s17], [sflag:$0x1], $0x80, v12, vm0, $0xb8;
	[tilespmem:$0xE100] =	vst v63  }
0x9b: {  	_ = 	snop  }
0x9c: {  	[hbm4b:s3+s2] =	stream.indirect_vreg.scatter [tilespmem:s18], [sflag:$0x1], $0x80, v11, vm0, $0xb8;
	[tilespmem:$0xE100] =	vst v63  }
0x9d: {  	_ = 	snop  }
0x9e: {  	[hbm4b:s4+s2] =	stream.indirect_vreg.scatter [tilespmem:s19], [sflag:$0x1], $0x80, v11, vm0, $0xb8;
	[tilespmem:$0xE100] =	vst v63  }
0x9f: {  	_ = 	snop  }
0xa0: {  	[hbm4b:s5+s2] =	stream.indirect_vreg.scatter [tilespmem:s20], [sflag:$0x1], $0x80, v11, vm0, $0xb8;
	[tilespmem:$0xE100] =	vst v63  }
0xa1: {  	v11 =	vld [tilespmem:$0x20A0];
	_ =	sdelay $0x4  }
0xa2: {  	v62 =	vshrl.u32 v11, $0x3  }
0xa3: {  	v12 =	vmul.u32 $0x30, v62  }
0xa4: {  	v11 =	vand.u32 $0x7, v11  }
0xa5: {  	v11 =	vor.u32 v11, v12  }
0xa6: {  	v12 =	vperm.xlane v11, v8;
	_ =	sdelay $0x1  }
0xa7: {  	v12 =	vadd.s32 v9, v12;
	_ =	sdelay $0x3  }
0xa8: {  	v11 =	vperm.xlane v11, v10  }
0xa9: {  	[hbm4b:s3+s2] =	stream.indirect_vreg.scatter [tilespmem:s21], [sflag:$0x1], $0x80, v12, vm0, $0xb8;
	[tilespmem:$0xE100] =	vst v63  }
0xaa: {  	v11 =	vadd.s32 v9, v11  }
0xab: {  	[hbm4b:s4+s2] =	stream.indirect_vreg.scatter [tilespmem:s22], [sflag:$0x1], $0x80, v12, vm0, $0xb8;
	[tilespmem:$0xE100] =	vst v63  }
0xac: {  	_ = 	snop  }
0xad: {  	[hbm4b:s5+s2] =	stream.indirect_vreg.scatter [tilespmem:s23], [sflag:$0x1], $0x80, v12, vm0, $0xb8;
	[tilespmem:$0xE100] =	vst v63  }
0xae: {  	_ = 	snop  }
0xaf: {  	[hbm4b:s3+s2] =	stream.indirect_vreg.scatter [tilespmem:s24], [sflag:$0x1], $0x80, v11, vm0, $0xb8;
	[tilespmem:$0xE100] =	vst v63  }
0xb0: {  	_ = 	snop  }
0xb1: {  	[hbm4b:s4+s2] =	stream.indirect_vreg.scatter [tilespmem:s25], [sflag:$0x1], $0x80, v11, vm0, $0xb8;
	[tilespmem:$0xE100] =	vst v63  }
0xb2: {  	_ = 	snop  }
0xb3: {  	[hbm4b:s5+s2] =	stream.indirect_vreg.scatter [tilespmem:s26], [sflag:$0x1], $0x80, v11, vm0, $0xb8;
	[tilespmem:$0xE100] =	vst v63  }
0xb4: {  	v11 =	vld [tilespmem:$0x20B0];
	_ =	sdelay $0x4  }
0xb5: {  	v63 =	vshrl.u32 v11, $0x3  }
0xb6: {  	v12 =	vmul.u32 $0x30, v63  }
0xb7: {  	v11 =	vand.u32 $0x7, v11  }
0xb8: {  	v11 =	vor.u32 v11, v12  }
0xb9: {  	v12 =	vperm.xlane v11, v8;
	_ =	sdelay $0x1  }
0xba: {  	v12 =	vadd.s32 v9, v12;
	_ =	sdelay $0x3  }
0xbb: {  	v11 =	vperm.xlane v11, v10  }
0xbc: {  	[hbm4b:s3+s2] =	stream.indirect_vreg.scatter [tilespmem:s28], [sflag:$0x1], $0x80, v12, vm0, $0xb8;
	[tilespmem:$0xE100] =	vst v63  }
0xbd: {  	v11 =	vadd.s32 v9, v11  }
0xbe: {  	[hbm4b:s4+s2] =	stream.indirect_vreg.scatter [tilespmem:s29], [sflag:$0x1], $0x80, v12, vm0, $0xb8;
	[tilespmem:$0xE100] =	vst v63  }
0xbf: {  	_ = 	snop  }
0xc0: {  	[hbm4b:s5+s2] =	stream.indirect_vreg.scatter [tilespmem:s30], [sflag:$0x1], $0x80, v12, vm0, $0xb8;
	[tilespmem:$0xE100] =	vst v63  }
0xc1: {  	_ = 	snop  }
0xc2: {  	[hbm4b:s3+s2] =	stream.indirect_vreg.scatter [tilespmem:s31], [sflag:$0x1], $0x80, v11, vm0, $0xb8;
	[tilespmem:$0xE100] =	vst v63  }
0xc3: {  	p0 =	sne.s32 s6, $0x1  }
0xc4: {  	[hbm4b:s4+s2] =	stream.indirect_vreg.scatter [tilespmem:s0], [sflag:$0x1], $0x80, v11, vm0, $0xb8;
	[tilespmem:$0xE100] =	vst v63  }
.Ltmp0:
0xc5: {  	_ = 	snop;
	(pc) =	sbr.rel @p0 .LBB2_1-.Ltmp0, $4  }
0xc6: {  	[hbm4b:s5+s2] =	stream.indirect_vreg.scatter [tilespmem:s1], [sflag:$0x1], $0x80, v11, vm0, $0xb8;
	[tilespmem:$0xE100] =	vst v63  }
0xc7: {  	_ =	swait.ge [sflag:s9], $0xC000  }
0xc8: {  	[sflag:s9] =	ssyncset.done $0x0  }
0xc9: {  	s6 =	sadd.s32 $0xFFFFFFFF, s6;
	[sflag:s9] =	ssyncadd.s32 $0xFFFF4000  }
0xca: {  	_ =	sfence.sel $0x180000  }
0xcb: {  	[bflag:$0x0] =	sbarrier.arrive $0xFFFF  }
0xcc: {  	_ =	strace $0x90000047  }
0xcd: {  	s0 =	stileid.u32;
	[bflag:$0x2] =	sbarrier.arrive $0xFFFF  }
0xce: {  	p0 =	sne.s32 s0, $0x0;
	s0 =	rddreg [dreg:$0x2]  }
0xcf: {  	s0 =	sadd.s32 @!p0 $0x100000, s0  }
0xd0: {  	[sflag:s0] =	ssyncadd.tile.s32 @!p0 $0x1;
	_ =	shalt  }
.Lfunc_end2:
_tile_overlayer_lowered:
.L_overlay_start_2:
0xd1: {  	(tag) =	ssettag $0x2  }
0xd2: {  	s0 =	rddreg [dreg:$0x0];
	s2 =	stileid.u32  }
0xd3: {  	s1 =	rddreg [dreg:$0x1];
	p0 =	sne.s32 s2, $0x0  }
0xd4: {  	s3 =	rddreg [dreg:$0x2];
	[bflag:$0x3] =	sbarrier.arrive $0xFFFF;
	s2 =	simm.s32 @!p0 $0x1C02  }
0xd5: {  	[timem:s3], [sflag:s2] =	dma.local @!p0 [hbm:s0], s1  }
0xd6: {  	s0 =	simm.s32 @!p0 $0x2  }
0xd7: {  	_ =	swait.ge @!p0 [sflag:s0], s1  }
0xd8: {  	s1 =	ssub.s32 @!p0 $0x0, s1;
	[sflag:s0] =	ssyncset.done @!p0 $0x0  }
0xd9: {  	[sflag:s0] =	ssyncadd.s32 @!p0 s1  }
0xda: {  	[bflag:$0x3] =	sbarrier.arrive $0xFFFF  }
0xdb: {  	_ =	shalt  }

</sc_bundles>
